<compile_context>
chip_gen: v7x
topology: tpu7x:2x2x1
jax: 0.10.2.dev20260603
libtpu: 0.0.44.dev20260713+nightly
codegen_flags: <defaults>
</compile_context>

<pallas_src>
import functools

import jax
import jax.numpy as jnp
from jax import lax
from jax.experimental import pallas as pl
from jax.experimental.pallas import tpu as pltpu
from jax.experimental.pallas import tpu_sc as plsc

_NC = 2
_NS = 16
_NW = _NC * _NS
_L = 16
_C = 80

_PERM_DNUMS = lax.GatherDimensionNumbers(
    offset_dims=(), collapsed_slice_dims=(0,), start_index_map=(0,))


def _lane_sum_splat(x):
    iota = lax.iota(jnp.int32, _L)
    for sh in (8, 4, 2, 1):
        idx = jnp.bitwise_xor(iota, sh)
        x = x + lax.gather(x, idx[:, None], _PERM_DNUMS, (1,),
                           mode=lax.GatherScatterMode.PROMISE_IN_BOUNDS)
    return x


def _mm_body(x_ref, w_ref, o_ref):
    o_ref[...] = jnp.dot(x_ref[...], w_ref[...],
                         preferred_element_type=jnp.float32)


def _matmul(X, W):
    N, D = X.shape
    BN = 1000
    return pl.pallas_call(
        _mm_body,
        grid=(N // BN,),
        in_specs=[
            pl.BlockSpec((BN, D), lambda i: (i, 0)),
            pl.BlockSpec((D, D), lambda i: (0, 0)),
        ],
        out_specs=pl.BlockSpec((BN, D), lambda i: (i, 0)),
        out_shape=jax.ShapeDtypeStruct((N, D), jnp.float32),
    )(X, W)


def _combine_body(hp_ref, rs_ref, o_ref):
    h = hp_ref[0] + hp_ref[1]
    r = rs_ref[0, :, 0:1] + rs_ref[1, :, 0:1]
    o_ref[...] = h / r


def _combine(h_part, rs_part):
    _, N, D = h_part.shape
    BN = next(b for b in (1024, 512, 256, 128) if N % b == 0)
    return pl.pallas_call(
        _combine_body,
        grid=(N // BN,),
        in_specs=[
            pl.BlockSpec((2, BN, D), lambda i: (0, i, 0)),
            pl.BlockSpec((2, BN, _L), lambda i: (0, i, 0)),
        ],
        out_specs=pl.BlockSpec((BN, D), lambda i: (i, 0)),
        out_shape=jax.ShapeDtypeStruct((N, D), jnp.float32),
    )(h_part, rs_part)


def _make_sc_agg(Np, E, D):
    per_w = E // _NW
    nchunks = per_w // _C
    rows_per_tile = Np // _NS
    mesh = plsc.VectorSubcoreMesh(core_axis_name="c", subcore_axis_name="s")

    @functools.partial(
        pl.kernel,
        mesh=mesh,
        out_type=[
            jax.ShapeDtypeStruct((_NC * Np, D), jnp.float32),
            jax.ShapeDtypeStruct((_NC * Np // 8, D), jnp.float32),
        ],
        scratch_types=[
            pltpu.VMEM((_C,), jnp.int32),
            pltpu.VMEM((_C,), jnp.int32),
            pltpu.VMEM((_C,), jnp.int32),
            pltpu.VMEM((_C, D), jnp.float32),
            pltpu.VMEM((_C, D), jnp.float32),
            pltpu.VMEM((_C, D), jnp.float32),
            pltpu.VMEM((_L,), jnp.float32),
            pltpu.VMEM_SHARED((Np, D), jnp.float32),
            pltpu.VMEM_SHARED((Np // 8, D), jnp.float32),
            pltpu.SemaphoreType.DMA,
            pltpu.SemaphoreType.DMA,
        ],
    )
    def sc_agg(xp_hbm, dst_hbm, src_hbm, aw_hbm,
               h_out, rs_out,
               dst_v, src_v, idx8_v, drows, srows, abuf, awv,
               h_sh, rs_sh,
               sem1, sem2):
        cid = lax.axis_index("c")
        sid = lax.axis_index("s")
        wid = cid * _NS + sid

        r0 = sid * rows_per_tile
        nslabs = rows_per_tile // _C
        pltpu.sync_copy(aw_hbm, awv)

        iota = lax.iota(jnp.int32, _L)
        rs_rows = Np // 8 // _NS
        rrs0 = sid * rs_rows

        def zrow_body(r, carry):
            z = jnp.zeros((_L,), jnp.float32)
            for k in range(D // _L):
                srows[r, pl.ds(k * _L, _L)] = z
            return carry

        lax.fori_loop(0, _C, zrow_body, 0)

        def zslab_body(b, carry):
            pltpu.sync_copy(srows, h_sh.at[pl.ds(r0 + b * _C, _C)])
            return carry

        lax.fori_loop(0, nslabs, zslab_body, 0)
        pltpu.sync_copy(srows.at[pl.ds(0, rs_rows)],
                        rs_sh.at[pl.ds(rrs0, rs_rows)])
        plsc.subcore_barrier()

        def chunk_body(j, carry):
            base = wid * per_w + j * _C
            pltpu.sync_copy(dst_hbm.at[pl.ds(base, _C)], dst_v)
            pltpu.sync_copy(src_hbm.at[pl.ds(base, _C)], src_v)
            pltpu.async_copy(xp_hbm.at[dst_v], drows, sem1).wait()
            pltpu.async_copy(xp_hbm.at[src_v], srows, sem2).wait()
            aw = awv[...]

            def edge_body(e, c2):
                acc = drows[e, pl.ds(0, _L)] * srows[e, pl.ds(0, _L)]
                for k in range(1, D // _L):
                    acc = acc + (drows[e, pl.ds(k * _L, _L)]
                                 * srows[e, pl.ds(k * _L, _L)])
                s = _lane_sum_splat(acc)
                att = jnp.exp(s * aw)
                for k in range(D // _L):
                    srows[e, pl.ds(k * _L, _L)] = (
                        srows[e, pl.ds(k * _L, _L)] * att)
                gb = (e // _L) * _L
                dst_grp = dst_v[pl.ds(gb, _L)]
                lane = jnp.full((_L,), e - gb, jnp.int32)
                dst_splat = lax.gather(
                    dst_grp, lane[:, None], _PERM_DNUMS, (1,),
                    mode=lax.GatherScatterMode.PROMISE_IN_BOUNDS)
                slot = jnp.bitwise_and(dst_splat, 7) * _L
                for k in range(D // _L):
                    m = (1 - jnp.minimum(jnp.abs(slot - k * _L), 1)
                         ).astype(jnp.float32)
                    abuf[e, pl.ds(k * _L, _L)] = att * m
                return c2

            lax.fori_loop(0, _C, edge_body, 0)

            def idx8_body(g, c2):
                d16 = dst_v[pl.ds(g * _L, _L)]
                idx8_v[pl.ds(g * _L, _L)] = lax.shift_right_logical(d16, 3)
                return c2

            lax.fori_loop(0, _C // _L, idx8_body, 0)
            pltpu.sync_copy(srows, h_sh.at[dst_v], add=True)
            pltpu.sync_copy(abuf, rs_sh.at[idx8_v], add=True)
            return carry

        lax.fori_loop(0, nchunks, chunk_body, 0)
        plsc.subcore_barrier()

        o0 = cid * Np + r0

        def drain_body(b, carry):
            pltpu.sync_copy(h_sh.at[pl.ds(r0 + b * _C, _C)], srows)
            pltpu.sync_copy(srows, h_out.at[pl.ds(o0 + b * _C, _C)])
            return carry

        lax.fori_loop(0, nslabs, drain_body, 0)
        pltpu.sync_copy(rs_sh.at[pl.ds(rrs0, rs_rows)],
                        srows.at[pl.ds(0, rs_rows)])
        pltpu.sync_copy(srows.at[pl.ds(0, rs_rows)],
                        rs_out.at[pl.ds(cid * (Np // 8) + rrs0, rs_rows)])

    return sc_agg


def kernel(X, edge_index, W, attention_w):
    N, D = X.shape
    E = edge_index.shape[1]
    Np = ((N + _NS * _C - 1) // (_NS * _C)) * (_NS * _C)
    dst = edge_index[0].astype(jnp.int32)
    src = edge_index[1].astype(jnp.int32)
    aw16 = jnp.broadcast_to(attention_w.astype(jnp.float32), (_L,))

    xp = _matmul(X, W)
    h_part, rs_part = _make_sc_agg(Np, E, D)(xp, dst, src, aw16)
    h_part = h_part.reshape(_NC, Np, D)
    rs_part = rs_part.reshape(_NC, Np, _L)
    return _combine(h_part, rs_part)[:N]

# --- scband reference (transcript-rebuilt; emitter-appended) ---
"""Pipeline reference for scband-agnnconv-39041252720978 (READ-ONLY COPY).

The authoritative reference and input builder live on the scoring server;
editing this copy changes nothing except your own understanding.
"""

import jax, jax.numpy as jnp
import numpy as np
import math

N = 10000
E = 320000
D = 128

def setup_inputs(seed: int = 0) -> dict:
    key = jax.random.key(seed)
    k1, k2, k3, k4 = jax.random.split(key, 4)
    X = jax.random.normal(k1, (N, D), dtype=jnp.float32)
    edge_index = jax.random.randint(k2, (2, E), 0, N, dtype=jnp.int64)
    stdv = 1.0 / math.sqrt(D)
    W = jax.random.uniform(k3, (D, D), dtype=jnp.float32, minval=-stdv, maxval=stdv)
    attention_w = jax.random.normal(k4, (1,), dtype=jnp.float32)
    return {"X": X, "edge_index": edge_index, "W": W, "attention_w": attention_w}

def reference(X, edge_index, W, attention_w):
    # X_prime = X @ W  (fp16 mm in original; fp32 here for CPU reference)
    X_prime = X @ W
    dst = edge_index[0]
    src = edge_index[1]
    # SDDMM: per-edge dot product of endpoint features, scaled by scalar attention weight
    edge_feature = jnp.sum(X_prime[dst] * X_prime[src], axis=-1) * attention_w[0]
    att = jnp.exp(edge_feature)
    # SpMM with ones: per-row sum of attention (softmax denominator)
    rows_sum = jax.ops.segment_sum(att, dst, num_segments=N)
    # SpMM: attention-weighted aggregation of neighbor features
    h_prime = jax.ops.segment_sum(att[:, None] * X_prime[src], dst, num_segments=N)
    h_prime = h_prime / rows_sum[:, None]
    return h_prime

if __name__ == "__main__":
    import jax
    _d = setup_inputs()
    print(jax.jit(kernel)(*tuple(_d.values())))

</pallas_src>

<mosaic_0001>
#map = affine_map<(d0, d1) -> (0, 0)>
#map1 = affine_map<(d0, d1) -> (0)>
module attributes {stable_mosaic.version = 14 : i64} {
  func.func @sc_agg(%arg0: i32, %arg1: i32, %arg2: memref<10000x128xf32, #tpu.memory_space<hbm>>, %arg3: memref<320000xi32, #tpu.memory_space<hbm>>, %arg4: memref<320000xi32, #tpu.memory_space<hbm>>, %arg5: memref<16xf32, #tpu.memory_space<hbm>>, %arg6: memref<20480x128xf32, #tpu.memory_space<hbm>>, %arg7: memref<2560x128xf32, #tpu.memory_space<hbm>>, %arg8: memref<80xi32, #tpu.memory_space<vmem>>, %arg9: memref<80xi32, #tpu.memory_space<vmem>>, %arg10: memref<80xi32, #tpu.memory_space<vmem>>, %arg11: memref<80x128xf32, #tpu.memory_space<vmem>>, %arg12: memref<80x128xf32, #tpu.memory_space<vmem>>, %arg13: memref<80x128xf32, #tpu.memory_space<vmem>>, %arg14: memref<16xf32, #tpu.memory_space<vmem>>, %arg15: memref<10240x128xf32, #tpu.memory_space<vmem_shared>>, %arg16: memref<1280x128xf32, #tpu.memory_space<vmem_shared>>, %arg17: memref<!tpu.dma_semaphore, #tpu.memory_space<semaphore_mem>>, %arg18: memref<!tpu.dma_semaphore, #tpu.memory_space<semaphore_mem>>) attributes {dimension_semantics = [#tpu.dimension_semantics<core_parallel>, #tpu.dimension_semantics<subcore_parallel>], iteration_bounds = array<i64: 2, 16>, scalar_prefetch = 0 : i64, scratch_operands = 11 : i64, tpu.core_type = #tpu.core_type<sc_vector_subcore>, window_params = [{transform_indices = #map}, {transform_indices = #map1}, {transform_indices = #map1}, {transform_indices = #map1}, {transform_indices = #map}, {transform_indices = #map}]} {
    %mul3A = arith.constant 16 : i32
    %mul3A_0 = arith.muli %arg0, %mul3A : i32
    %add3A = arith.addi %mul3A_0, %arg1 : i32
    %mul3A_1 = arith.constant 640 : i32
    %mul3A_2 = arith.muli %arg1, %mul3A_1 : i32
    "tpu.region"() ({
      %run_scoped3A = tpu.sem_alloc : memref<!tpu.dma_semaphore, #tpu.memory_space<semaphore_mem>>
      tpu.enqueue_dma source(%arg5 : memref<16xf32, #tpu.memory_space<hbm>>) target(%arg14 : memref<16xf32, #tpu.memory_space<vmem>>) target_semaphore(%run_scoped3A : memref<!tpu.dma_semaphore, #tpu.memory_space<semaphore_mem>>)
      tpu.wait_dma2 semaphore(%run_scoped3A : memref<!tpu.dma_semaphore, #tpu.memory_space<semaphore_mem>>) src(%arg5 : memref<16xf32, #tpu.memory_space<hbm>>) dst(%arg14 : memref<16xf32, #tpu.memory_space<vmem>>)
      tpu.yield
    }) : () -> ()
    %iota3A = tpu.iota {dimensions = array<i32: 0>} : vector<16xi32>
    %mul3A_3 = arith.constant 80 : i32
    %mul3A_4 = arith.muli %arg1, %mul3A_3 : i32
    %scan3A = arith.constant 0 : i32
    %scan3A_5 = arith.constant 0 : i32
    %scan3A_6 = arith.constant 80 : i32
    %scan3A_7 = arith.addi %scan3A_5, %scan3A_6 : i32
    %scan3A_8 = arith.constant 1 : i32
    scf.for %scan3A_35 = %scan3A_5 to %scan3A_7 step %scan3A_8  : i32 {
      %broadcast_in_dim3A = arith.constant 0.000000e+00 : f32
      %broadcast_in_dim3A_36 = vector.broadcast %broadcast_in_dim3A : f32 to vector<16xf32>
      %swap3A = arith.index_cast %scan3A_35 : i32 to index
      %swap3A_37 = arith.constant 0 : index
      %swap3A_38 = tpu.vector_load %arg12[%swap3A, %swap3A_37] {strides = array<i32>} : memref<80x128xf32, #tpu.memory_space<vmem>>, vector<1x16xf32>,
      %swap3A_39 = vector.shape_cast %swap3A_38 : vector<1x16xf32> to vector<16xf32>
      %swap3A_40 = vector.shape_cast %broadcast_in_dim3A_36 : vector<16xf32> to vector<1x16xf32>
      tpu.vector_store %arg12[%swap3A, %swap3A_37], %swap3A_40 {strides = array<i32>} : memref<80x128xf32, #tpu.memory_space<vmem>>, vector<1x16xf32>,
      %swap3A_41 = arith.index_cast %scan3A_35 : i32 to index
      %swap3A_42 = arith.constant 16 : index
      %swap3A_43 = tpu.vector_load %arg12[%swap3A_41, %swap3A_42] {strides = array<i32>} : memref<80x128xf32, #tpu.memory_space<vmem>>, vector<1x16xf32>,
      %swap3A_44 = vector.shape_cast %swap3A_43 : vector<1x16xf32> to vector<16xf32>
      %swap3A_45 = vector.shape_cast %broadcast_in_dim3A_36 : vector<16xf32> to vector<1x16xf32>
      tpu.vector_store %arg12[%swap3A_41, %swap3A_42], %swap3A_45 {strides = array<i32>} : memref<80x128xf32, #tpu.memory_space<vmem>>, vector<1x16xf32>,
      %swap3A_46 = arith.index_cast %scan3A_35 : i32 to index
      %swap3A_47 = arith.constant 32 : index
      %swap3A_48 = tpu.vector_load %arg12[%swap3A_46, %swap3A_47] {strides = array<i32>} : memref<80x128xf32, #tpu.memory_space<vmem>>, vector<1x16xf32>,
      %swap3A_49 = vector.shape_cast %swap3A_48 : vector<1x16xf32> to vector<16xf32>
      %swap3A_50 = vector.shape_cast %broadcast_in_dim3A_36 : vector<16xf32> to vector<1x16xf32>
      tpu.vector_store %arg12[%swap3A_46, %swap3A_47], %swap3A_50 {strides = array<i32>} : memref<80x128xf32, #tpu.memory_space<vmem>>, vector<1x16xf32>,
      %swap3A_51 = arith.index_cast %scan3A_35 : i32 to index
      %swap3A_52 = arith.constant 48 : index
      %swap3A_53 = tpu.vector_load %arg12[%swap3A_51, %swap3A_52] {strides = array<i32>} : memref<80x128xf32, #tpu.memory_space<vmem>>, vector<1x16xf32>,
      %swap3A_54 = vector.shape_cast %swap3A_53 : vector<1x16xf32> to vector<16xf32>
      %swap3A_55 = vector.shape_cast %broadcast_in_dim3A_36 : vector<16xf32> to vector<1x16xf32>
      tpu.vector_store %arg12[%swap3A_51, %swap3A_52], %swap3A_55 {strides = array<i32>} : memref<80x128xf32, #tpu.memory_space<vmem>>, vector<1x16xf32>,
      %swap3A_56 = arith.index_cast %scan3A_35 : i32 to index
      %swap3A_57 = arith.constant 64 : index
      %swap3A_58 = tpu.vector_load %arg12[%swap3A_56, %swap3A_57] {strides = array<i32>} : memref<80x128xf32, #tpu.memory_space<vmem>>, vector<1x16xf32>,
      %swap3A_59 = vector.shape_cast %swap3A_58 : vector<1x16xf32> to vector<16xf32>
      %swap3A_60 = vector.shape_cast %broadcast_in_dim3A_36 : vector<16xf32> to vector<1x16xf32>
      tpu.vector_store %arg12[%swap3A_56, %swap3A_57], %swap3A_60 {strides = array<i32>} : memref<80x128xf32, #tpu.memory_space<vmem>>, vector<1x16xf32>,
      %swap3A_61 = arith.index_cast %scan3A_35 : i32 to index
      %swap3A_62 = arith.constant 80 : index
      %swap3A_63 = tpu.vector_load %arg12[%swap3A_61, %swap3A_62] {strides = array<i32>} : memref<80x128xf32, #tpu.memory_space<vmem>>, vector<1x16xf32>,
      %swap3A_64 = vector.shape_cast %swap3A_63 : vector<1x16xf32> to vector<16xf32>
      %swap3A_65 = vector.shape_cast %broadcast_in_dim3A_36 : vector<16xf32> to vector<1x16xf32>
      tpu.vector_store %arg12[%swap3A_61, %swap3A_62], %swap3A_65 {strides = array<i32>} : memref<80x128xf32, #tpu.memory_space<vmem>>, vector<1x16xf32>,
      %swap3A_66 = arith.index_cast %scan3A_35 : i32 to index
      %swap3A_67 = arith.constant 96 : index
      %swap3A_68 = tpu.vector_load %arg12[%swap3A_66, %swap3A_67] {strides = array<i32>} : memref<80x128xf32, #tpu.memory_space<vmem>>, vector<1x16xf32>,
      %swap3A_69 = vector.shape_cast %swap3A_68 : vector<1x16xf32> to vector<16xf32>
      %swap3A_70 = vector.shape_cast %broadcast_in_dim3A_36 : vector<16xf32> to vector<1x16xf32>
      tpu.vector_store %arg12[%swap3A_66, %swap3A_67], %swap3A_70 {strides = array<i32>} : memref<80x128xf32, #tpu.memory_space<vmem>>, vector<1x16xf32>,
      %swap3A_71 = arith.index_cast %scan3A_35 : i32 to index
      %swap3A_72 = arith.constant 112 : index
      %swap3A_73 = tpu.vector_load %arg12[%swap3A_71, %swap3A_72] {strides = array<i32>} : memref<80x128xf32, #tpu.memory_space<vmem>>, vector<1x16xf32>,
      %swap3A_74 = vector.shape_cast %swap3A_73 : vector<1x16xf32> to vector<16xf32>
      %swap3A_75 = vector.shape_cast %broadcast_in_dim3A_36 : vector<16xf32> to vector<1x16xf32>
      tpu.vector_store %arg12[%swap3A_71, %swap3A_72], %swap3A_75 {strides = array<i32>} : memref<80x128xf32, #tpu.memory_space<vmem>>, vector<1x16xf32>,
    }
    %scan3A_9 = arith.constant 80 : i32
    %scan3A_10 = arith.constant 0 : i32
    %scan3A_11 = arith.constant 0 : i32
    %scan3A_12 = arith.constant 8 : i32
    %scan3A_13 = arith.addi %scan3A_11, %scan3A_12 : i32
    %scan3A_14 = arith.constant 1 : i32
    scf.for %scan3A_35 = %scan3A_11 to %scan3A_13 step %scan3A_14  : i32 {
      %mul3A_36 = arith.constant 80 : i32
      %mul3A_37 = arith.muli %scan3A_35, %mul3A_36 : i32
      %add3A_38 = arith.addi %mul3A_2, %mul3A_37 : i32
      "tpu.region"() ({
        %run_scoped3A = tpu.sem_alloc : memref<!tpu.dma_semaphore, #tpu.memory_space<semaphore_mem>>
        %dma_start3A = arith.constant 0 : i32
        %dma_start3A_39 = tpu.memref_slice %arg15[%add3A_38, %dma_start3A] : memref<10240x128xf32, #tpu.memory_space<vmem_shared>> -> memref<80x128xf32, #tpu.memory_space<vmem_shared>>
        %dma_start3A_40 = arith.constant 0 : i32
        %dma_start3A_41 = tpu.memref_slice %arg15[%add3A_38, %dma_start3A_40] : memref<10240x128xf32, #tpu.memory_space<vmem_shared>> -> memref<80x128xf32, #tpu.memory_space<vmem_shared>>
        tpu.enqueue_dma source(%arg12 : memref<80x128xf32, #tpu.memory_space<vmem>>) target(%dma_start3A_41 : memref<80x128xf32, #tpu.memory_space<vmem_shared>>) target_semaphore(%run_scoped3A : memref<!tpu.dma_semaphore, #tpu.memory_space<semaphore_mem>>)
        %dma_wait3A = arith.constant 0 : i32
        %dma_wait3A_42 = tpu.memref_slice %arg15[%add3A_38, %dma_wait3A] : memref<10240x128xf32, #tpu.memory_space<vmem_shared>> -> memref<80x128xf32, #tpu.memory_space<vmem_shared>>
        %dma_wait3A_43 = arith.constant 0 : i32
        %dma_wait3A_44 = tpu.memref_slice %arg15[%add3A_38, %dma_wait3A_43] : memref<10240x128xf32, #tpu.memory_space<vmem_shared>> -> memref<80x128xf32, #tpu.memory_space<vmem_shared>>
        tpu.wait_dma2 semaphore(%run_scoped3A : memref<!tpu.dma_semaphore, #tpu.memory_space<semaphore_mem>>) src(%arg12 : memref<80x128xf32, #tpu.memory_space<vmem>>) dst(%dma_wait3A_44 : memref<80x128xf32, #tpu.memory_space<vmem_shared>>)
        tpu.yield
      }) : () -> ()
    }
    %scan3A_15 = arith.constant 8 : i32
    "tpu.region"() ({
      %run_scoped3A = tpu.sem_alloc : memref<!tpu.dma_semaphore, #tpu.memory_space<semaphore_mem>>
      %dma_start3A = arith.constant 0 : i32
      %dma_start3A_35 = arith.constant 0 : i32
      %dma_start3A_36 = tpu.memref_slice %arg12[%dma_start3A, %dma_start3A_35] : memref<80x128xf32, #tpu.memory_space<vmem>> -> memref<80x128xf32, #tpu.memory_space<vmem>>
      %dma_start3A_37 = arith.constant 0 : i32
      %dma_start3A_38 = tpu.memref_slice %arg16[%mul3A_4, %dma_start3A_37] : memref<1280x128xf32, #tpu.memory_space<vmem_shared>> -> memref<80x128xf32, #tpu.memory_space<vmem_shared>>
      %dma_start3A_39 = arith.constant 0 : i32
      %dma_start3A_40 = tpu.memref_slice %arg16[%mul3A_4, %dma_start3A_39] : memref<1280x128xf32, #tpu.memory_space<vmem_shared>> -> memref<80x128xf32, #tpu.memory_space<vmem_shared>>
      %dma_start3A_41 = arith.constant 0 : i32
      %dma_start3A_42 = arith.constant 0 : i32
      %dma_start3A_43 = tpu.memref_slice %arg12[%dma_start3A_41, %dma_start3A_42] : memref<80x128xf32, #tpu.memory_space<vmem>> -> memref<80x128xf32, #tpu.memory_space<vmem>>
      tpu.enqueue_dma source(%dma_start3A_43 : memref<80x128xf32, #tpu.memory_space<vmem>>) target(%dma_start3A_40 : memref<80x128xf32, #tpu.memory_space<vmem_shared>>) target_semaphore(%run_scoped3A : memref<!tpu.dma_semaphore, #tpu.memory_space<semaphore_mem>>)
      %dma_wait3A = arith.constant 0 : i32
      %dma_wait3A_44 = arith.constant 0 : i32
      %dma_wait3A_45 = tpu.memref_slice %arg12[%dma_wait3A, %dma_wait3A_44] : memref<80x128xf32, #tpu.memory_space<vmem>> -> memref<80x128xf32, #tpu.memory_space<vmem>>
      %dma_wait3A_46 = arith.constant 0 : i32
      %dma_wait3A_47 = tpu.memref_slice %arg16[%mul3A_4, %dma_wait3A_46] : memref<1280x128xf32, #tpu.memory_space<vmem_shared>> -> memref<80x128xf32, #tpu.memory_space<vmem_shared>>
      %dma_wait3A_48 = arith.constant 0 : i32
      %dma_wait3A_49 = tpu.memref_slice %arg16[%mul3A_4, %dma_wait3A_48] : memref<1280x128xf32, #tpu.memory_space<vmem_shared>> -> memref<80x128xf32, #tpu.memory_space<vmem_shared>>
      %dma_wait3A_50 = arith.constant 0 : i32
      %dma_wait3A_51 = arith.constant 0 : i32
      %dma_wait3A_52 = tpu.memref_slice %arg12[%dma_wait3A_50, %dma_wait3A_51] : memref<80x128xf32, #tpu.memory_space<vmem>> -> memref<80x128xf32, #tpu.memory_space<vmem>>
      tpu.wait_dma2 semaphore(%run_scoped3A : memref<!tpu.dma_semaphore, #tpu.memory_space<semaphore_mem>>) src(%dma_wait3A_52 : memref<80x128xf32, #tpu.memory_space<vmem>>) dst(%dma_wait3A_49 : memref<80x128xf32, #tpu.memory_space<vmem_shared>>)
      tpu.yield
    }) : () -> ()
    %barrier3A = arith.constant 0 : index
    tpu.barrier barrier_id(%barrier3A)
    %scan3A_16 = arith.constant 0 : i32
    %scan3A_17 = arith.constant 0 : i32
    %scan3A_18 = arith.constant 125 : i32
    %scan3A_19 = arith.addi %scan3A_17, %scan3A_18 : i32
    %scan3A_20 = arith.constant 1 : i32
    scf.for %scan3A_35 = %scan3A_17 to %scan3A_19 step %scan3A_20  : i32 {
      %mul3A_36 = arith.constant 10000 : i32
      %mul3A_37 = arith.muli %add3A, %mul3A_36 : i32
      %mul3A_38 = arith.constant 80 : i32
      %mul3A_39 = arith.muli %scan3A_35, %mul3A_38 : i32
      %add3A_40 = arith.addi %mul3A_37, %mul3A_39 : i32
      "tpu.region"() ({
        %run_scoped3A = tpu.sem_alloc : memref<!tpu.dma_semaphore, #tpu.memory_space<semaphore_mem>>
        %dma_start3A_65 = tpu.memref_slice %arg3[%add3A_40] : memref<320000xi32, #tpu.memory_space<hbm>> -> memref<80xi32, #tpu.memory_space<hbm>>
        %dma_start3A_66 = tpu.memref_slice %arg3[%add3A_40] : memref<320000xi32, #tpu.memory_space<hbm>> -> memref<80xi32, #tpu.memory_space<hbm>>
        tpu.enqueue_dma source(%dma_start3A_66 : memref<80xi32, #tpu.memory_space<hbm>>) target(%arg8 : memref<80xi32, #tpu.memory_space<vmem>>) target_semaphore(%run_scoped3A : memref<!tpu.dma_semaphore, #tpu.memory_space<semaphore_mem>>)
        %dma_wait3A_67 = tpu.memref_slice %arg3[%add3A_40] : memref<320000xi32, #tpu.memory_space<hbm>> -> memref<80xi32, #tpu.memory_space<hbm>>
        %dma_wait3A_68 = tpu.memref_slice %arg3[%add3A_40] : memref<320000xi32, #tpu.memory_space<hbm>> -> memref<80xi32, #tpu.memory_space<hbm>>
        tpu.wait_dma2 semaphore(%run_scoped3A : memref<!tpu.dma_semaphore, #tpu.memory_space<semaphore_mem>>) src(%dma_wait3A_68 : memref<80xi32, #tpu.memory_space<hbm>>) dst(%arg8 : memref<80xi32, #tpu.memory_space<vmem>>)
        tpu.yield
      }) : () -> ()
      "tpu.region"() ({
        %run_scoped3A = tpu.sem_alloc : memref<!tpu.dma_semaphore, #tpu.memory_space<semaphore_mem>>
        %dma_start3A_65 = tpu.memref_slice %arg4[%add3A_40] : memref<320000xi32, #tpu.memory_space<hbm>> -> memref<80xi32, #tpu.memory_space<hbm>>
        %dma_start3A_66 = tpu.memref_slice %arg4[%add3A_40] : memref<320000xi32, #tpu.memory_space<hbm>> -> memref<80xi32, #tpu.memory_space<hbm>>
        tpu.enqueue_dma source(%dma_start3A_66 : memref<80xi32, #tpu.memory_space<hbm>>) target(%arg9 : memref<80xi32, #tpu.memory_space<vmem>>) target_semaphore(%run_scoped3A : memref<!tpu.dma_semaphore, #tpu.memory_space<semaphore_mem>>)
        %dma_wait3A_67 = tpu.memref_slice %arg4[%add3A_40] : memref<320000xi32, #tpu.memory_space<hbm>> -> memref<80xi32, #tpu.memory_space<hbm>>
        %dma_wait3A_68 = tpu.memref_slice %arg4[%add3A_40] : memref<320000xi32, #tpu.memory_space<hbm>> -> memref<80xi32, #tpu.memory_space<hbm>>
        tpu.wait_dma2 semaphore(%run_scoped3A : memref<!tpu.dma_semaphore, #tpu.memory_space<semaphore_mem>>) src(%dma_wait3A_68 : memref<80xi32, #tpu.memory_space<hbm>>) dst(%arg9 : memref<80xi32, #tpu.memory_space<vmem>>)
        tpu.yield
      }) : () -> ()
      %dma_start3A = arith.constant 0 : i32
      %dma_start3A_41 = arith.constant 0 : i32
      %dma_start3A_42 = tpu.memref_slice %arg2[%dma_start3A, %dma_start3A_41] : memref<10000x128xf32, #tpu.memory_space<hbm>> -> memref<10000x128xf32, #tpu.memory_space<hbm>>
      tpu.enqueue_indirect_dma source(%dma_start3A_42 : memref<10000x128xf32, #tpu.memory_space<hbm>>) target(%arg11 : memref<80x128xf32, #tpu.memory_space<vmem>>) offsets(%arg8 : memref<80xi32, #tpu.memory_space<vmem>>) semaphore(%arg17 : memref<!tpu.dma_semaphore, #tpu.memory_space<semaphore_mem>>)
      %dma_wait3A = arith.constant 0 : i32
      %dma_wait3A_43 = arith.constant 0 : i32
      %dma_wait3A_44 = tpu.memref_slice %arg2[%dma_wait3A, %dma_wait3A_43] : memref<10000x128xf32, #tpu.memory_space<hbm>> -> memref<10000x128xf32, #tpu.memory_space<hbm>>
      tpu.wait_indirect_dma semaphore(%arg17 : memref<!tpu.dma_semaphore, #tpu.memory_space<semaphore_mem>>) src(%dma_wait3A_44 : memref<10000x128xf32, #tpu.memory_space<hbm>>) dst(%arg11 : memref<80x128xf32, #tpu.memory_space<vmem>>)
      %dma_start3A_45 = arith.constant 0 : i32
      %dma_start3A_46 = arith.constant 0 : i32
      %dma_start3A_47 = tpu.memref_slice %arg2[%dma_start3A_45, %dma_start3A_46] : memref<10000x128xf32, #tpu.memory_space<hbm>> -> memref<10000x128xf32, #tpu.memory_space<hbm>>
      tpu.enqueue_indirect_dma source(%dma_start3A_47 : memref<10000x128xf32, #tpu.memory_space<hbm>>) target(%arg12 : memref<80x128xf32, #tpu.memory_space<vmem>>) offsets(%arg9 : memref<80xi32, #tpu.memory_space<vmem>>) semaphore(%arg18 : memref<!tpu.dma_semaphore, #tpu.memory_space<semaphore_mem>>)
      %dma_wait3A_48 = arith.constant 0 : i32
      %dma_wait3A_49 = arith.constant 0 : i32
      %dma_wait3A_50 = tpu.memref_slice %arg2[%dma_wait3A_48, %dma_wait3A_49] : memref<10000x128xf32, #tpu.memory_space<hbm>> -> memref<10000x128xf32, #tpu.memory_space<hbm>>
      tpu.wait_indirect_dma semaphore(%arg18 : memref<!tpu.dma_semaphore, #tpu.memory_space<semaphore_mem>>) src(%dma_wait3A_50 : memref<10000x128xf32, #tpu.memory_space<hbm>>) dst(%arg12 : memref<80x128xf32, #tpu.memory_space<vmem>>)
      %get3A = arith.constant 0 : index
      %get3A_51 = tpu.vector_load %arg14[%get3A] {strides = array<i32>} : memref<16xf32, #tpu.memory_space<vmem>>, vector<16xf32>,
      %get3A_52 = vector.shape_cast %get3A_51 : vector<16xf32> to vector<16xf32>
      %scan3A_53 = arith.constant 0 : i32
      %scan3A_54 = arith.constant 0 : i32
      %scan3A_55 = arith.constant 80 : i32
      %scan3A_56 = arith.addi %scan3A_54, %scan3A_55 : i32
      %scan3A_57 = arith.constant 1 : i32
      scf.for %scan3A_65 = %scan3A_54 to %scan3A_56 step %scan3A_57  : i32 {
        %get3A_66 = arith.index_cast %scan3A_65 : i32 to index
        %get3A_67 = arith.constant 0 : index
        %get3A_68 = tpu.vector_load %arg11[%get3A_66, %get3A_67] {strides = array<i32>} : memref<80x128xf32, #tpu.memory_space<vmem>>, vector<1x16xf32>,
        %get3A_69 = vector.shape_cast %get3A_68 : vector<1x16xf32> to vector<16xf32>
        %get3A_70 = arith.index_cast %scan3A_65 : i32 to index
        %get3A_71 = arith.constant 0 : index
        %get3A_72 = tpu.vector_load %arg12[%get3A_70, %get3A_71] {strides = array<i32>} : memref<80x128xf32, #tpu.memory_space<vmem>>, vector<1x16xf32>,
        %get3A_73 = vector.shape_cast %get3A_72 : vector<1x16xf32> to vector<16xf32>
        %mul3A_74 = arith.mulf %get3A_69, %get3A_73 : vector<16xf32>
        %get3A_75 = arith.index_cast %scan3A_65 : i32 to index
        %get3A_76 = arith.constant 16 : index
        %get3A_77 = tpu.vector_load %arg11[%get3A_75, %get3A_76] {strides = array<i32>} : memref<80x128xf32, #tpu.memory_space<vmem>>, vector<1x16xf32>,
        %get3A_78 = vector.shape_cast %get3A_77 : vector<1x16xf32> to vector<16xf32>
        %get3A_79 = arith.index_cast %scan3A_65 : i32 to index
        %get3A_80 = arith.constant 16 : index
        %get3A_81 = tpu.vector_load %arg12[%get3A_79, %get3A_80] {strides = array<i32>} : memref<80x128xf32, #tpu.memory_space<vmem>>, vector<1x16xf32>,
        %get3A_82 = vector.shape_cast %get3A_81 : vector<1x16xf32> to vector<16xf32>
        %mul3A_83 = arith.mulf %get3A_78, %get3A_82 : vector<16xf32>
        %add3A_84 = arith.addf %mul3A_74, %mul3A_83 : vector<16xf32>
        %get3A_85 = arith.index_cast %scan3A_65 : i32 to index
        %get3A_86 = arith.constant 32 : index
        %get3A_87 = tpu.vector_load %arg11[%get3A_85, %get3A_86] {strides = array<i32>} : memref<80x128xf32, #tpu.memory_space<vmem>>, vector<1x16xf32>,
        %get3A_88 = vector.shape_cast %get3A_87 : vector<1x16xf32> to vector<16xf32>
        %get3A_89 = arith.index_cast %scan3A_65 : i32 to index
        %get3A_90 = arith.constant 32 : index
        %get3A_91 = tpu.vector_load %arg12[%get3A_89, %get3A_90] {strides = array<i32>} : memref<80x128xf32, #tpu.memory_space<vmem>>, vector<1x16xf32>,
        %get3A_92 = vector.shape_cast %get3A_91 : vector<1x16xf32> to vector<16xf32>
        %mul3A_93 = arith.mulf %get3A_88, %get3A_92 : vector<16xf32>
        %add3A_94 = arith.addf %add3A_84, %mul3A_93 : vector<16xf32>
        %get3A_95 = arith.index_cast %scan3A_65 : i32 to index
        %get3A_96 = arith.constant 48 : index
        %get3A_97 = tpu.vector_load %arg11[%get3A_95, %get3A_96] {strides = array<i32>} : memref<80x128xf32, #tpu.memory_space<vmem>>, vector<1x16xf32>,
        %get3A_98 = vector.shape_cast %get3A_97 : vector<1x16xf32> to vector<16xf32>
        %get3A_99 = arith.index_cast %scan3A_65 : i32 to index
        %get3A_100 = arith.constant 48 : index
        %get3A_101 = tpu.vector_load %arg12[%get3A_99, %get3A_100] {strides = array<i32>} : memref<80x128xf32, #tpu.memory_space<vmem>>, vector<1x16xf32>,
        %get3A_102 = vector.shape_cast %get3A_101 : vector<1x16xf32> to vector<16xf32>
        %mul3A_103 = arith.mulf %get3A_98, %get3A_102 : vector<16xf32>
        %add3A_104 = arith.addf %add3A_94, %mul3A_103 : vector<16xf32>
        %get3A_105 = arith.index_cast %scan3A_65 : i32 to index
        %get3A_106 = arith.constant 64 : index
        %get3A_107 = tpu.vector_load %arg11[%get3A_105, %get3A_106] {strides = array<i32>} : memref<80x128xf32, #tpu.memory_space<vmem>>, vector<1x16xf32>,
        %get3A_108 = vector.shape_cast %get3A_107 : vector<1x16xf32> to vector<16xf32>
        %get3A_109 = arith.index_cast %scan3A_65 : i32 to index
        %get3A_110 = arith.constant 64 : index
        %get3A_111 = tpu.vector_load %arg12[%get3A_109, %get3A_110] {strides = array<i32>} : memref<80x128xf32, #tpu.memory_space<vmem>>, vector<1x16xf32>,
        %get3A_112 = vector.shape_cast %get3A_111 : vector<1x16xf32> to vector<16xf32>
        %mul3A_113 = arith.mulf %get3A_108, %get3A_112 : vector<16xf32>
        %add3A_114 = arith.addf %add3A_104, %mul3A_113 : vector<16xf32>
        %get3A_115 = arith.index_cast %scan3A_65 : i32 to index
        %get3A_116 = arith.constant 80 : index
        %get3A_117 = tpu.vector_load %arg11[%get3A_115, %get3A_116] {strides = array<i32>} : memref<80x128xf32, #tpu.memory_space<vmem>>, vector<1x16xf32>,
        %get3A_118 = vector.shape_cast %get3A_117 : vector<1x16xf32> to vector<16xf32>
        %get3A_119 = arith.index_cast %scan3A_65 : i32 to index
        %get3A_120 = arith.constant 80 : index
        %get3A_121 = tpu.vector_load %arg12[%get3A_119, %get3A_120] {strides = array<i32>} : memref<80x128xf32, #tpu.memory_space<vmem>>, vector<1x16xf32>,
        %get3A_122 = vector.shape_cast %get3A_121 : vector<1x16xf32> to vector<16xf32>
        %mul3A_123 = arith.mulf %get3A_118, %get3A_122 : vector<16xf32>
        %add3A_124 = arith.addf %add3A_114, %mul3A_123 : vector<16xf32>
        %get3A_125 = arith.index_cast %scan3A_65 : i32 to index
        %get3A_126 = arith.constant 96 : index
        %get3A_127 = tpu.vector_load %arg11[%get3A_125, %get3A_126] {strides = array<i32>} : memref<80x128xf32, #tpu.memory_space<vmem>>, vector<1x16xf32>,
        %get3A_128 = vector.shape_cast %get3A_127 : vector<1x16xf32> to vector<16xf32>
        %get3A_129 = arith.index_cast %scan3A_65 : i32 to index
        %get3A_130 = arith.constant 96 : index
        %get3A_131 = tpu.vector_load %arg12[%get3A_129, %get3A_130] {strides = array<i32>} : memref<80x128xf32, #tpu.memory_space<vmem>>, vector<1x16xf32>,
        %get3A_132 = vector.shape_cast %get3A_131 : vector<1x16xf32> to vector<16xf32>
        %mul3A_133 = arith.mulf %get3A_128, %get3A_132 : vector<16xf32>
        %add3A_134 = arith.addf %add3A_124, %mul3A_133 : vector<16xf32>
        %get3A_135 = arith.index_cast %scan3A_65 : i32 to index
        %get3A_136 = arith.constant 112 : index
        %get3A_137 = tpu.vector_load %arg11[%get3A_135, %get3A_136] {strides = array<i32>} : memref<80x128xf32, #tpu.memory_space<vmem>>, vector<1x16xf32>,
        %get3A_138 = vector.shape_cast %get3A_137 : vector<1x16xf32> to vector<16xf32>
        %get3A_139 = arith.index_cast %scan3A_65 : i32 to index
        %get3A_140 = arith.constant 112 : index
        %get3A_141 = tpu.vector_load %arg12[%get3A_139, %get3A_140] {strides = array<i32>} : memref<80x128xf32, #tpu.memory_space<vmem>>, vector<1x16xf32>,
        %get3A_142 = vector.shape_cast %get3A_141 : vector<1x16xf32> to vector<16xf32>
        %mul3A_143 = arith.mulf %get3A_138, %get3A_142 : vector<16xf32>
        %add3A_144 = arith.addf %add3A_134, %mul3A_143 : vector<16xf32>
        %iota3A_145 = tpu.iota {dimensions = array<i32: 0>} : vector<16xi32>
        %xor3A = arith.constant 8 : i32
        %xor3A_146 = vector.broadcast %xor3A : i32 to vector<16xi32>
        %xor3A_147 = arith.xori %iota3A_145, %xor3A_146 : vector<16xi32>
        %broadcast_in_dim3A = vector.shape_cast %xor3A_147 : vector<16xi32> to vector<16x1xi32>
        %gather3A = vector.shape_cast %broadcast_in_dim3A : vector<16x1xi32> to vector<16xi32>
        %gather3A_148 = tpu.dynamic_gather %add3A_144[%gather3A] in [0] : vector<16xf32>, vector<16xi32> -> vector<16xf32>
        %add3A_149 = arith.addf %add3A_144, %gather3A_148 : vector<16xf32>
        %xor3A_150 = arith.constant 4 : i32
        %xor3A_151 = vector.broadcast %xor3A_150 : i32 to vector<16xi32>
        %xor3A_152 = arith.xori %iota3A_145, %xor3A_151 : vector<16xi32>
        %broadcast_in_dim3A_153 = vector.shape_cast %xor3A_152 : vector<16xi32> to vector<16x1xi32>
        %gather3A_154 = vector.shape_cast %broadcast_in_dim3A_153 : vector<16x1xi32> to vector<16xi32>
        %gather3A_155 = tpu.dynamic_gather %add3A_149[%gather3A_154] in [0] : vector<16xf32>, vector<16xi32> -> vector<16xf32>
        %add3A_156 = arith.addf %add3A_149, %gather3A_155 : vector<16xf32>
        %xor3A_157 = arith.constant 2 : i32
        %xor3A_158 = vector.broadcast %xor3A_157 : i32 to vector<16xi32>
        %xor3A_159 = arith.xori %iota3A_145, %xor3A_158 : vector<16xi32>
        %broadcast_in_dim3A_160 = vector.shape_cast %xor3A_159 : vector<16xi32> to vector<16x1xi32>
        %gather3A_161 = vector.shape_cast %broadcast_in_dim3A_160 : vector<16x1xi32> to vector<16xi32>
        %gather3A_162 = tpu.dynamic_gather %add3A_156[%gather3A_161] in [0] : vector<16xf32>, vector<16xi32> -> vector<16xf32>
        %add3A_163 = arith.addf %add3A_156, %gather3A_162 : vector<16xf32>
        %xor3A_164 = arith.constant 1 : i32
        %xor3A_165 = vector.broadcast %xor3A_164 : i32 to vector<16xi32>
        %xor3A_166 = arith.xori %iota3A_145, %xor3A_165 : vector<16xi32>
        %broadcast_in_dim3A_167 = vector.shape_cast %xor3A_166 : vector<16xi32> to vector<16x1xi32>
        %gather3A_168 = vector.shape_cast %broadcast_in_dim3A_167 : vector<16x1xi32> to vector<16xi32>
        %gather3A_169 = tpu.dynamic_gather %add3A_163[%gather3A_168] in [0] : vector<16xf32>, vector<16xi32> -> vector<16xf32>
        %add3A_170 = arith.addf %add3A_163, %gather3A_169 : vector<16xf32>
        %mul3A_171 = arith.mulf %add3A_170, %get3A_52 : vector<16xf32>
        %exp3A = math.exp %mul3A_171 : vector<16xf32>
        %get3A_172 = arith.index_cast %scan3A_65 : i32 to index
        %get3A_173 = arith.constant 0 : index
        %get3A_174 = tpu.vector_load %arg12[%get3A_172, %get3A_173] {strides = array<i32>} : memref<80x128xf32, #tpu.memory_space<vmem>>, vector<1x16xf32>,
        %get3A_175 = vector.shape_cast %get3A_174 : vector<1x16xf32> to vector<16xf32>
        %mul3A_176 = arith.mulf %get3A_175, %exp3A : vector<16xf32>
        %swap3A = arith.index_cast %scan3A_65 : i32 to index
        %swap3A_177 = arith.constant 0 : index
        %swap3A_178 = tpu.vector_load %arg12[%swap3A, %swap3A_177] {strides = array<i32>} : memref<80x128xf32, #tpu.memory_space<vmem>>, vector<1x16xf32>,
        %swap3A_179 = vector.shape_cast %swap3A_178 : vector<1x16xf32> to vector<16xf32>
        %swap3A_180 = vector.shape_cast %mul3A_176 : vector<16xf32> to vector<1x16xf32>
        tpu.vector_store %arg12[%swap3A, %swap3A_177], %swap3A_180 {strides = array<i32>} : memref<80x128xf32, #tpu.memory_space<vmem>>, vector<1x16xf32>,
        %get3A_181 = arith.index_cast %scan3A_65 : i32 to index
        %get3A_182 = arith.constant 16 : index
        %get3A_183 = tpu.vector_load %arg12[%get3A_181, %get3A_182] {strides = array<i32>} : memref<80x128xf32, #tpu.memory_space<vmem>>, vector<1x16xf32>,
        %get3A_184 = vector.shape_cast %get3A_183 : vector<1x16xf32> to vector<16xf32>
        %mul3A_185 = arith.mulf %get3A_184, %exp3A : vector<16xf32>
        %swap3A_186 = arith.index_cast %scan3A_65 : i32 to index
        %swap3A_187 = arith.constant 16 : index
        %swap3A_188 = tpu.vector_load %arg12[%swap3A_186, %swap3A_187] {strides = array<i32>} : memref<80x128xf32, #tpu.memory_space<vmem>>, vector<1x16xf32>,
        %swap3A_189 = vector.shape_cast %swap3A_188 : vector<1x16xf32> to vector<16xf32>
        %swap3A_190 = vector.shape_cast %mul3A_185 : vector<16xf32> to vector<1x16xf32>
        tpu.vector_store %arg12[%swap3A_186, %swap3A_187], %swap3A_190 {strides = array<i32>} : memref<80x128xf32, #tpu.memory_space<vmem>>, vector<1x16xf32>,
        %get3A_191 = arith.index_cast %scan3A_65 : i32 to index
        %get3A_192 = arith.constant 32 : index
        %get3A_193 = tpu.vector_load %arg12[%get3A_191, %get3A_192] {strides = array<i32>} : memref<80x128xf32, #tpu.memory_space<vmem>>, vector<1x16xf32>,
        %get3A_194 = vector.shape_cast %get3A_193 : vector<1x16xf32> to vector<16xf32>
        %mul3A_195 = arith.mulf %get3A_194, %exp3A : vector<16xf32>
        %swap3A_196 = arith.index_cast %scan3A_65 : i32 to index
        %swap3A_197 = arith.constant 32 : index
        %swap3A_198 = tpu.vector_load %arg12[%swap3A_196, %swap3A_197] {strides = array<i32>} : memref<80x128xf32, #tpu.memory_space<vmem>>, vector<1x16xf32>,
        %swap3A_199 = vector.shape_cast %swap3A_198 : vector<1x16xf32> to vector<16xf32>
        %swap3A_200 = vector.shape_cast %mul3A_195 : vector<16xf32> to vector<1x16xf32>
        tpu.vector_store %arg12[%swap3A_196, %swap3A_197], %swap3A_200 {strides = array<i32>} : memref<80x128xf32, #tpu.memory_space<vmem>>, vector<1x16xf32>,
        %get3A_201 = arith.index_cast %scan3A_65 : i32 to index
        %get3A_202 = arith.constant 48 : index
        %get3A_203 = tpu.vector_load %arg12[%get3A_201, %get3A_202] {strides = array<i32>} : memref<80x128xf32, #tpu.memory_space<vmem>>, vector<1x16xf32>,
        %get3A_204 = vector.shape_cast %get3A_203 : vector<1x16xf32> to vector<16xf32>
        %mul3A_205 = arith.mulf %get3A_204, %exp3A : vector<16xf32>
        %swap3A_206 = arith.index_cast %scan3A_65 : i32 to index
        %swap3A_207 = arith.constant 48 : index
        %swap3A_208 = tpu.vector_load %arg12[%swap3A_206, %swap3A_207] {strides = array<i32>} : memref<80x128xf32, #tpu.memory_space<vmem>>, vector<1x16xf32>,
        %swap3A_209 = vector.shape_cast %swap3A_208 : vector<1x16xf32> to vector<16xf32>
        %swap3A_210 = vector.shape_cast %mul3A_205 : vector<16xf32> to vector<1x16xf32>
        tpu.vector_store %arg12[%swap3A_206, %swap3A_207], %swap3A_210 {strides = array<i32>} : memref<80x128xf32, #tpu.memory_space<vmem>>, vector<1x16xf32>,
        %get3A_211 = arith.index_cast %scan3A_65 : i32 to index
        %get3A_212 = arith.constant 64 : index
        %get3A_213 = tpu.vector_load %arg12[%get3A_211, %get3A_212] {strides = array<i32>} : memref<80x128xf32, #tpu.memory_space<vmem>>, vector<1x16xf32>,
        %get3A_214 = vector.shape_cast %get3A_213 : vector<1x16xf32> to vector<16xf32>
        %mul3A_215 = arith.mulf %get3A_214, %exp3A : vector<16xf32>
        %swap3A_216 = arith.index_cast %scan3A_65 : i32 to index
        %swap3A_217 = arith.constant 64 : index
        %swap3A_218 = tpu.vector_load %arg12[%swap3A_216, %swap3A_217] {strides = array<i32>} : memref<80x128xf32, #tpu.memory_space<vmem>>, vector<1x16xf32>,
        %swap3A_219 = vector.shape_cast %swap3A_218 : vector<1x16xf32> to vector<16xf32>
        %swap3A_220 = vector.shape_cast %mul3A_215 : vector<16xf32> to vector<1x16xf32>
        tpu.vector_store %arg12[%swap3A_216, %swap3A_217], %swap3A_220 {strides = array<i32>} : memref<80x128xf32, #tpu.memory_space<vmem>>, vector<1x16xf32>,
        %get3A_221 = arith.index_cast %scan3A_65 : i32 to index
        %get3A_222 = arith.constant 80 : index
        %get3A_223 = tpu.vector_load %arg12[%get3A_221, %get3A_222] {strides = array<i32>} : memref<80x128xf32, #tpu.memory_space<vmem>>, vector<1x16xf32>,
        %get3A_224 = vector.shape_cast %get3A_223 : vector<1x16xf32> to vector<16xf32>
        %mul3A_225 = arith.mulf %get3A_224, %exp3A : vector<16xf32>
        %swap3A_226 = arith.index_cast %scan3A_65 : i32 to index
        %swap3A_227 = arith.constant 80 : index
        %swap3A_228 = tpu.vector_load %arg12[%swap3A_226, %swap3A_227] {strides = array<i32>} : memref<80x128xf32, #tpu.memory_space<vmem>>, vector<1x16xf32>,
        %swap3A_229 = vector.shape_cast %swap3A_228 : vector<1x16xf32> to vector<16xf32>
        %swap3A_230 = vector.shape_cast %mul3A_225 : vector<16xf32> to vector<1x16xf32>
        tpu.vector_store %arg12[%swap3A_226, %swap3A_227], %swap3A_230 {strides = array<i32>} : memref<80x128xf32, #tpu.memory_space<vmem>>, vector<1x16xf32>,
        %get3A_231 = arith.index_cast %scan3A_65 : i32 to index
        %get3A_232 = arith.constant 96 : index
        %get3A_233 = tpu.vector_load %arg12[%get3A_231, %get3A_232] {strides = array<i32>} : memref<80x128xf32, #tpu.memory_space<vmem>>, vector<1x16xf32>,
        %get3A_234 = vector.shape_cast %get3A_233 : vector<1x16xf32> to vector<16xf32>
        %mul3A_235 = arith.mulf %get3A_234, %exp3A : vector<16xf32>
        %swap3A_236 = arith.index_cast %scan3A_65 : i32 to index
        %swap3A_237 = arith.constant 96 : index
        %swap3A_238 = tpu.vector_load %arg12[%swap3A_236, %swap3A_237] {strides = array<i32>} : memref<80x128xf32, #tpu.memory_space<vmem>>, vector<1x16xf32>,
        %swap3A_239 = vector.shape_cast %swap3A_238 : vector<1x16xf32> to vector<16xf32>
        %swap3A_240 = vector.shape_cast %mul3A_235 : vector<16xf32> to vector<1x16xf32>
        tpu.vector_store %arg12[%swap3A_236, %swap3A_237], %swap3A_240 {strides = array<i32>} : memref<80x128xf32, #tpu.memory_space<vmem>>, vector<1x16xf32>,
        %get3A_241 = arith.index_cast %scan3A_65 : i32 to index
        %get3A_242 = arith.constant 112 : index
        %get3A_243 = tpu.vector_load %arg12[%get3A_241, %get3A_242] {strides = array<i32>} : memref<80x128xf32, #tpu.memory_space<vmem>>, vector<1x16xf32>,
        %get3A_244 = vector.shape_cast %get3A_243 : vector<1x16xf32> to vector<16xf32>
        %mul3A_245 = arith.mulf %get3A_244, %exp3A : vector<16xf32>
        %swap3A_246 = arith.index_cast %scan3A_65 : i32 to index
        %swap3A_247 = arith.constant 112 : index
        %swap3A_248 = tpu.vector_load %arg12[%swap3A_246, %swap3A_247] {strides = array<i32>} : memref<80x128xf32, #tpu.memory_space<vmem>>, vector<1x16xf32>,
        %swap3A_249 = vector.shape_cast %swap3A_248 : vector<1x16xf32> to vector<16xf32>
        %swap3A_250 = vector.shape_cast %mul3A_245 : vector<16xf32> to vector<1x16xf32>
        tpu.vector_store %arg12[%swap3A_246, %swap3A_247], %swap3A_250 {strides = array<i32>} : memref<80x128xf32, #tpu.memory_space<vmem>>, vector<1x16xf32>,
        %jit3A = arith.constant 16 : i32
        %div3A = arith.divsi %scan3A_65, %jit3A : i32
        %sign3A = arith.constant 0 : i32
        %sign3A_251 = arith.cmpi sgt, %scan3A_65, %sign3A : i32
        %sign3A_252 = arith.extui %sign3A_251 : i1 to i32
        %sign3A_253 = arith.constant 0 : i32
        %sign3A_254 = arith.cmpi slt, %scan3A_65, %sign3A_253 : i32
        %sign3A_255 = arith.extui %sign3A_254 : i1 to i32
        %sign3A_256 = arith.subi %sign3A_252, %sign3A_255 : i32
        %sign3A_257 = arith.constant 0 : i32
        %sign3A_258 = arith.cmpi sgt, %jit3A, %sign3A_257 : i32
        %sign3A_259 = arith.extui %sign3A_258 : i1 to i32
        %sign3A_260 = arith.constant 0 : i32
        %sign3A_261 = arith.cmpi slt, %jit3A, %sign3A_260 : i32
        %sign3A_262 = arith.extui %sign3A_261 : i1 to i32
        %sign3A_263 = arith.subi %sign3A_259, %sign3A_262 : i32
        %ne3A = arith.cmpi ne, %sign3A_256, %sign3A_263 : i32
        %rem3A = arith.remsi %scan3A_65, %jit3A : i32
        %ne3A_264 = arith.constant 0 : i32
        %ne3A_265 = arith.cmpi ne, %rem3A, %ne3A_264 : i32
        %and3A = arith.andi %ne3A, %ne3A_265 : i1
        %sub3A = arith.constant 1 : i32
        %sub3A_266 = arith.subi %div3A, %sub3A : i32
        %select_n3A = arith.select %and3A, %sub3A_266, %div3A : i32
        %mul3A_267 = arith.constant 16 : i32
        %mul3A_268 = arith.muli %select_n3A, %mul3A_267 : i32
        %get3A_269 = arith.index_cast %mul3A_268 : i32 to index
        %get3A_270 = tpu.vector_load %arg8[%get3A_269] {strides = array<i32>} : memref<80xi32, #tpu.memory_space<vmem>>, vector<16xi32>,
        %get3A_271 = vector.shape_cast %get3A_270 : vector<16xi32> to vector<16xi32>
        %sub3A_272 = arith.subi %scan3A_65, %mul3A_268 : i32
        %broadcast_in_dim3A_273 = vector.broadcast %sub3A_272 : i32 to vector<16xi32>
        %broadcast_in_dim3A_274 = vector.shape_cast %broadcast_in_dim3A_273 : vector<16xi32> to vector<16x1xi32>
        %gather3A_275 = vector.shape_cast %broadcast_in_dim3A_274 : vector<16x1xi32> to vector<16xi32>
        %gather3A_276 = tpu.dynamic_gather %get3A_271[%gather3A_275] in [0] : vector<16xi32>, vector<16xi32> -> vector<16xi32>
        %and3A_277 = arith.constant 7 : i32
        %and3A_278 = vector.broadcast %and3A_277 : i32 to vector<16xi32>
        %and3A_279 = arith.andi %gather3A_276, %and3A_278 : vector<16xi32>
        %mul3A_280 = arith.constant 16 : i32
        %mul3A_281 = vector.broadcast %mul3A_280 : i32 to vector<16xi32>
        %mul3A_282 = arith.muli %and3A_279, %mul3A_281 : vector<16xi32>
        %sub3A_283 = arith.constant 0 : i32
        %sub3A_284 = vector.broadcast %sub3A_283 : i32 to vector<16xi32>
        %sub3A_285 = arith.subi %mul3A_282, %sub3A_284 : vector<16xi32>
        %abs3A = math.absi %sub3A_285 : vector<16xi32>
        %min3A = arith.constant 1 : i32
        %min3A_286 = vector.broadcast %min3A : i32 to vector<16xi32>
        %min3A_287 = arith.minsi %abs3A, %min3A_286 : vector<16xi32>
        %sub3A_288 = arith.constant 1 : i32
        %sub3A_289 = vector.broadcast %sub3A_288 : i32 to vector<16xi32>
        %sub3A_290 = arith.subi %sub3A_289, %min3A_287 : vector<16xi32>
        %convert_element_type3A = arith.sitofp %sub3A_290 : vector<16xi32> to vector<16xf32>
        %mul3A_291 = arith.mulf %exp3A, %convert_element_type3A : vector<16xf32>
        %swap3A_292 = arith.index_cast %scan3A_65 : i32 to index
        %swap3A_293 = arith.constant 0 : index
        %swap3A_294 = tpu.vector_load %arg13[%swap3A_292, %swap3A_293] {strides = array<i32>} : memref<80x128xf32, #tpu.memory_space<vmem>>, vector<1x16xf32>,
        %swap3A_295 = vector.shape_cast %swap3A_294 : vector<1x16xf32> to vector<16xf32>
        %swap3A_296 = vector.shape_cast %mul3A_291 : vector<16xf32> to vector<1x16xf32>
        tpu.vector_store %arg13[%swap3A_292, %swap3A_293], %swap3A_296 {strides = array<i32>} : memref<80x128xf32, #tpu.memory_space<vmem>>, vector<1x16xf32>,
        %sub3A_297 = arith.constant 16 : i32
        %sub3A_298 = vector.broadcast %sub3A_297 : i32 to vector<16xi32>
        %sub3A_299 = arith.subi %mul3A_282, %sub3A_298 : vector<16xi32>
        %abs3A_300 = math.absi %sub3A_299 : vector<16xi32>
        %min3A_301 = arith.constant 1 : i32
        %min3A_302 = vector.broadcast %min3A_301 : i32 to vector<16xi32>
        %min3A_303 = arith.minsi %abs3A_300, %min3A_302 : vector<16xi32>
        %sub3A_304 = arith.constant 1 : i32
        %sub3A_305 = vector.broadcast %sub3A_304 : i32 to vector<16xi32>
        %sub3A_306 = arith.subi %sub3A_305, %min3A_303 : vector<16xi32>
        %convert_element_type3A_307 = arith.sitofp %sub3A_306 : vector<16xi32> to vector<16xf32>
        %mul3A_308 = arith.mulf %exp3A, %convert_element_type3A_307 : vector<16xf32>
        %swap3A_309 = arith.index_cast %scan3A_65 : i32 to index
        %swap3A_310 = arith.constant 16 : index
        %swap3A_311 = tpu.vector_load %arg13[%swap3A_309, %swap3A_310] {strides = array<i32>} : memref<80x128xf32, #tpu.memory_space<vmem>>, vector<1x16xf32>,
        %swap3A_312 = vector.shape_cast %swap3A_311 : vector<1x16xf32> to vector<16xf32>
        %swap3A_313 = vector.shape_cast %mul3A_308 : vector<16xf32> to vector<1x16xf32>
        tpu.vector_store %arg13[%swap3A_309, %swap3A_310], %swap3A_313 {strides = array<i32>} : memref<80x128xf32, #tpu.memory_space<vmem>>, vector<1x16xf32>,
        %sub3A_314 = arith.constant 32 : i32
        %sub3A_315 = vector.broadcast %sub3A_314 : i32 to vector<16xi32>
        %sub3A_316 = arith.subi %mul3A_282, %sub3A_315 : vector<16xi32>
        %abs3A_317 = math.absi %sub3A_316 : vector<16xi32>
        %min3A_318 = arith.constant 1 : i32
        %min3A_319 = vector.broadcast %min3A_318 : i32 to vector<16xi32>
        %min3A_320 = arith.minsi %abs3A_317, %min3A_319 : vector<16xi32>
        %sub3A_321 = arith.constant 1 : i32
        %sub3A_322 = vector.broadcast %sub3A_321 : i32 to vector<16xi32>
        %sub3A_323 = arith.subi %sub3A_322, %min3A_320 : vector<16xi32>
        %convert_element_type3A_324 = arith.sitofp %sub3A_323 : vector<16xi32> to vector<16xf32>
        %mul3A_325 = arith.mulf %exp3A, %convert_element_type3A_324 : vector<16xf32>
        %swap3A_326 = arith.index_cast %scan3A_65 : i32 to index
        %swap3A_327 = arith.constant 32 : index
        %swap3A_328 = tpu.vector_load %arg13[%swap3A_326, %swap3A_327] {strides = array<i32>} : memref<80x128xf32, #tpu.memory_space<vmem>>, vector<1x16xf32>,
        %swap3A_329 = vector.shape_cast %swap3A_328 : vector<1x16xf32> to vector<16xf32>
        %swap3A_330 = vector.shape_cast %mul3A_325 : vector<16xf32> to vector<1x16xf32>
        tpu.vector_store %arg13[%swap3A_326, %swap3A_327], %swap3A_330 {strides = array<i32>} : memref<80x128xf32, #tpu.memory_space<vmem>>, vector<1x16xf32>,
        %sub3A_331 = arith.constant 48 : i32
        %sub3A_332 = vector.broadcast %sub3A_331 : i32 to vector<16xi32>
        %sub3A_333 = arith.subi %mul3A_282, %sub3A_332 : vector<16xi32>
        %abs3A_334 = math.absi %sub3A_333 : vector<16xi32>
        %min3A_335 = arith.constant 1 : i32
        %min3A_336 = vector.broadcast %min3A_335 : i32 to vector<16xi32>
        %min3A_337 = arith.minsi %abs3A_334, %min3A_336 : vector<16xi32>
        %sub3A_338 = arith.constant 1 : i32
        %sub3A_339 = vector.broadcast %sub3A_338 : i32 to vector<16xi32>
        %sub3A_340 = arith.subi %sub3A_339, %min3A_337 : vector<16xi32>
        %convert_element_type3A_341 = arith.sitofp %sub3A_340 : vector<16xi32> to vector<16xf32>
        %mul3A_342 = arith.mulf %exp3A, %convert_element_type3A_341 : vector<16xf32>
        %swap3A_343 = arith.index_cast %scan3A_65 : i32 to index
        %swap3A_344 = arith.constant 48 : index
        %swap3A_345 = tpu.vector_load %arg13[%swap3A_343, %swap3A_344] {strides = array<i32>} : memref<80x128xf32, #tpu.memory_space<vmem>>, vector<1x16xf32>,
        %swap3A_346 = vector.shape_cast %swap3A_345 : vector<1x16xf32> to vector<16xf32>
        %swap3A_347 = vector.shape_cast %mul3A_342 : vector<16xf32> to vector<1x16xf32>
        tpu.vector_store %arg13[%swap3A_343, %swap3A_344], %swap3A_347 {strides = array<i32>} : memref<80x128xf32, #tpu.memory_space<vmem>>, vector<1x16xf32>,
        %sub3A_348 = arith.constant 64 : i32
        %sub3A_349 = vector.broadcast %sub3A_348 : i32 to vector<16xi32>
        %sub3A_350 = arith.subi %mul3A_282, %sub3A_349 : vector<16xi32>
        %abs3A_351 = math.absi %sub3A_350 : vector<16xi32>
        %min3A_352 = arith.constant 1 : i32
        %min3A_353 = vector.broadcast %min3A_352 : i32 to vector<16xi32>
        %min3A_354 = arith.minsi %abs3A_351, %min3A_353 : vector<16xi32>
        %sub3A_355 = arith.constant 1 : i32
        %sub3A_356 = vector.broadcast %sub3A_355 : i32 to vector<16xi32>
        %sub3A_357 = arith.subi %sub3A_356, %min3A_354 : vector<16xi32>
        %convert_element_type3A_358 = arith.sitofp %sub3A_357 : vector<16xi32> to vector<16xf32>
        %mul3A_359 = arith.mulf %exp3A, %convert_element_type3A_358 : vector<16xf32>
        %swap3A_360 = arith.index_cast %scan3A_65 : i32 to index
        %swap3A_361 = arith.constant 64 : index
        %swap3A_362 = tpu.vector_load %arg13[%swap3A_360, %swap3A_361] {strides = array<i32>} : memref<80x128xf32, #tpu.memory_space<vmem>>, vector<1x16xf32>,
        %swap3A_363 = vector.shape_cast %swap3A_362 : vector<1x16xf32> to vector<16xf32>
        %swap3A_364 = vector.shape_cast %mul3A_359 : vector<16xf32> to vector<1x16xf32>
        tpu.vector_store %arg13[%swap3A_360, %swap3A_361], %swap3A_364 {strides = array<i32>} : memref<80x128xf32, #tpu.memory_space<vmem>>, vector<1x16xf32>,
        %sub3A_365 = arith.constant 80 : i32
        %sub3A_366 = vector.broadcast %sub3A_365 : i32 to vector<16xi32>
        %sub3A_367 = arith.subi %mul3A_282, %sub3A_366 : vector<16xi32>
        %abs3A_368 = math.absi %sub3A_367 : vector<16xi32>
        %min3A_369 = arith.constant 1 : i32
        %min3A_370 = vector.broadcast %min3A_369 : i32 to vector<16xi32>
        %min3A_371 = arith.minsi %abs3A_368, %min3A_370 : vector<16xi32>
        %sub3A_372 = arith.constant 1 : i32
        %sub3A_373 = vector.broadcast %sub3A_372 : i32 to vector<16xi32>
        %sub3A_374 = arith.subi %sub3A_373, %min3A_371 : vector<16xi32>
        %convert_element_type3A_375 = arith.sitofp %sub3A_374 : vector<16xi32> to vector<16xf32>
        %mul3A_376 = arith.mulf %exp3A, %convert_element_type3A_375 : vector<16xf32>
        %swap3A_377 = arith.index_cast %scan3A_65 : i32 to index
        %swap3A_378 = arith.constant 80 : index
        %swap3A_379 = tpu.vector_load %arg13[%swap3A_377, %swap3A_378] {strides = array<i32>} : memref<80x128xf32, #tpu.memory_space<vmem>>, vector<1x16xf32>,
        %swap3A_380 = vector.shape_cast %swap3A_379 : vector<1x16xf32> to vector<16xf32>
        %swap3A_381 = vector.shape_cast %mul3A_376 : vector<16xf32> to vector<1x16xf32>
        tpu.vector_store %arg13[%swap3A_377, %swap3A_378], %swap3A_381 {strides = array<i32>} : memref<80x128xf32, #tpu.memory_space<vmem>>, vector<1x16xf32>,
        %sub3A_382 = arith.constant 96 : i32
        %sub3A_383 = vector.broadcast %sub3A_382 : i32 to vector<16xi32>
        %sub3A_384 = arith.subi %mul3A_282, %sub3A_383 : vector<16xi32>
        %abs3A_385 = math.absi %sub3A_384 : vector<16xi32>
        %min3A_386 = arith.constant 1 : i32
        %min3A_387 = vector.broadcast %min3A_386 : i32 to vector<16xi32>
        %min3A_388 = arith.minsi %abs3A_385, %min3A_387 : vector<16xi32>
        %sub3A_389 = arith.constant 1 : i32
        %sub3A_390 = vector.broadcast %sub3A_389 : i32 to vector<16xi32>
        %sub3A_391 = arith.subi %sub3A_390, %min3A_388 : vector<16xi32>
        %convert_element_type3A_392 = arith.sitofp %sub3A_391 : vector<16xi32> to vector<16xf32>
        %mul3A_393 = arith.mulf %exp3A, %convert_element_type3A_392 : vector<16xf32>
        %swap3A_394 = arith.index_cast %scan3A_65 : i32 to index
        %swap3A_395 = arith.constant 96 : index
        %swap3A_396 = tpu.vector_load %arg13[%swap3A_394, %swap3A_395] {strides = array<i32>} : memref<80x128xf32, #tpu.memory_space<vmem>>, vector<1x16xf32>,
        %swap3A_397 = vector.shape_cast %swap3A_396 : vector<1x16xf32> to vector<16xf32>
        %swap3A_398 = vector.shape_cast %mul3A_393 : vector<16xf32> to vector<1x16xf32>
        tpu.vector_store %arg13[%swap3A_394, %swap3A_395], %swap3A_398 {strides = array<i32>} : memref<80x128xf32, #tpu.memory_space<vmem>>, vector<1x16xf32>,
        %sub3A_399 = arith.constant 112 : i32
        %sub3A_400 = vector.broadcast %sub3A_399 : i32 to vector<16xi32>
        %sub3A_401 = arith.subi %mul3A_282, %sub3A_400 : vector<16xi32>
        %abs3A_402 = math.absi %sub3A_401 : vector<16xi32>
        %min3A_403 = arith.constant 1 : i32
        %min3A_404 = vector.broadcast %min3A_403 : i32 to vector<16xi32>
        %min3A_405 = arith.minsi %abs3A_402, %min3A_404 : vector<16xi32>
        %sub3A_406 = arith.constant 1 : i32
        %sub3A_407 = vector.broadcast %sub3A_406 : i32 to vector<16xi32>
        %sub3A_408 = arith.subi %sub3A_407, %min3A_405 : vector<16xi32>
        %convert_element_type3A_409 = arith.sitofp %sub3A_408 : vector<16xi32> to vector<16xf32>
        %mul3A_410 = arith.mulf %exp3A, %convert_element_type3A_409 : vector<16xf32>
        %swap3A_411 = arith.index_cast %scan3A_65 : i32 to index
        %swap3A_412 = arith.constant 112 : index
        %swap3A_413 = tpu.vector_load %arg13[%swap3A_411, %swap3A_412] {strides = array<i32>} : memref<80x128xf32, #tpu.memory_space<vmem>>, vector<1x16xf32>,
        %swap3A_414 = vector.shape_cast %swap3A_413 : vector<1x16xf32> to vector<16xf32>
        %swap3A_415 = vector.shape_cast %mul3A_410 : vector<16xf32> to vector<1x16xf32>
        tpu.vector_store %arg13[%swap3A_411, %swap3A_412], %swap3A_415 {strides = array<i32>} : memref<80x128xf32, #tpu.memory_space<vmem>>, vector<1x16xf32>,
      }
      %scan3A_58 = arith.constant 80 : i32
      %scan3A_59 = arith.constant 0 : i32
      %scan3A_60 = arith.constant 0 : i32
      %scan3A_61 = arith.constant 5 : i32
      %scan3A_62 = arith.addi %scan3A_60, %scan3A_61 : i32
      %scan3A_63 = arith.constant 1 : i32
      scf.for %scan3A_65 = %scan3A_60 to %scan3A_62 step %scan3A_63  : i32 {
        %mul3A_66 = arith.constant 16 : i32
        %mul3A_67 = arith.muli %scan3A_65, %mul3A_66 : i32
        %get3A_68 = arith.index_cast %mul3A_67 : i32 to index
        %get3A_69 = tpu.vector_load %arg8[%get3A_68] {strides = array<i32>} : memref<80xi32, #tpu.memory_space<vmem>>, vector<16xi32>,
        %get3A_70 = vector.shape_cast %get3A_69 : vector<16xi32> to vector<16xi32>
        %shift_right_logical3A = arith.constant 3 : i32
        %shift_right_logical3A_71 = vector.broadcast %shift_right_logical3A : i32 to vector<16xi32>
        %shift_right_logical3A_72 = arith.shrui %get3A_70, %shift_right_logical3A_71 : vector<16xi32>
        %mul3A_73 = arith.constant 16 : i32
        %mul3A_74 = arith.muli %scan3A_65, %mul3A_73 : i32
        %swap3A = arith.index_cast %mul3A_74 : i32 to index
        %swap3A_75 = tpu.vector_load %arg10[%swap3A] {strides = array<i32>} : memref<80xi32, #tpu.memory_space<vmem>>, vector<16xi32>,
        %swap3A_76 = vector.shape_cast %swap3A_75 : vector<16xi32> to vector<16xi32>
        %swap3A_77 = vector.shape_cast %shift_right_logical3A_72 : vector<16xi32> to vector<16xi32>
        tpu.vector_store %arg10[%swap3A], %swap3A_77 {strides = array<i32>} : memref<80xi32, #tpu.memory_space<vmem>>, vector<16xi32>,
      }
      %scan3A_64 = arith.constant 5 : i32
      "tpu.region"() ({
        %run_scoped3A = tpu.sem_alloc : memref<!tpu.dma_semaphore, #tpu.memory_space<semaphore_mem>>
        %dma_start3A_65 = arith.constant 0 : i32
        %dma_start3A_66 = arith.constant 0 : i32
        %dma_start3A_67 = tpu.memref_slice %arg15[%dma_start3A_65, %dma_start3A_66] : memref<10240x128xf32, #tpu.memory_space<vmem_shared>> -> memref<10240x128xf32, #tpu.memory_space<vmem_shared>>
        tpu.enqueue_indirect_dma source(%arg12 : memref<80x128xf32, #tpu.memory_space<vmem>>) target(%dma_start3A_67 : memref<10240x128xf32, #tpu.memory_space<vmem_shared>>) offsets(%arg8 : memref<80xi32, #tpu.memory_space<vmem>>) semaphore(%run_scoped3A : memref<!tpu.dma_semaphore, #tpu.memory_space<semaphore_mem>>) {add = true}
        %dma_wait3A_68 = arith.constant 0 : i32
        %dma_wait3A_69 = arith.constant 0 : i32
        %dma_wait3A_70 = tpu.memref_slice %arg15[%dma_wait3A_68, %dma_wait3A_69] : memref<10240x128xf32, #tpu.memory_space<vmem_shared>> -> memref<10240x128xf32, #tpu.memory_space<vmem_shared>>
        tpu.wait_indirect_dma semaphore(%run_scoped3A : memref<!tpu.dma_semaphore, #tpu.memory_space<semaphore_mem>>) src(%arg12 : memref<80x128xf32, #tpu.memory_space<vmem>>) dst(%dma_wait3A_70 : memref<10240x128xf32, #tpu.memory_space<vmem_shared>>)
        tpu.yield
      }) : () -> ()
      "tpu.region"() ({
        %run_scoped3A = tpu.sem_alloc : memref<!tpu.dma_semaphore, #tpu.memory_space<semaphore_mem>>
        %dma_start3A_65 = arith.constant 0 : i32
        %dma_start3A_66 = arith.constant 0 : i32
        %dma_start3A_67 = tpu.memref_slice %arg16[%dma_start3A_65, %dma_start3A_66] : memref<1280x128xf32, #tpu.memory_space<vmem_shared>> -> memref<1280x128xf32, #tpu.memory_space<vmem_shared>>
        tpu.enqueue_indirect_dma source(%arg13 : memref<80x128xf32, #tpu.memory_space<vmem>>) target(%dma_start3A_67 : memref<1280x128xf32, #tpu.memory_space<vmem_shared>>) offsets(%arg10 : memref<80xi32, #tpu.memory_space<vmem>>) semaphore(%run_scoped3A : memref<!tpu.dma_semaphore, #tpu.memory_space<semaphore_mem>>) {add = true}
        %dma_wait3A_68 = arith.constant 0 : i32
        %dma_wait3A_69 = arith.constant 0 : i32
        %dma_wait3A_70 = tpu.memref_slice %arg16[%dma_wait3A_68, %dma_wait3A_69] : memref<1280x128xf32, #tpu.memory_space<vmem_shared>> -> memref<1280x128xf32, #tpu.memory_space<vmem_shared>>
        tpu.wait_indirect_dma semaphore(%run_scoped3A : memref<!tpu.dma_semaphore, #tpu.memory_space<semaphore_mem>>) src(%arg13 : memref<80x128xf32, #tpu.memory_space<vmem>>) dst(%dma_wait3A_70 : memref<1280x128xf32, #tpu.memory_space<vmem_shared>>)
        tpu.yield
      }) : () -> ()
    }
    %scan3A_21 = arith.constant 125 : i32
    %barrier3A_22 = arith.constant 0 : index
    tpu.barrier barrier_id(%barrier3A_22)
    %mul3A_23 = arith.constant 10240 : i32
    %mul3A_24 = arith.muli %arg0, %mul3A_23 : i32
    %add3A_25 = arith.addi %mul3A_24, %mul3A_2 : i32
    %scan3A_26 = arith.constant 0 : i32
    %scan3A_27 = arith.constant 0 : i32
    %scan3A_28 = arith.constant 8 : i32
    %scan3A_29 = arith.addi %scan3A_27, %scan3A_28 : i32
    %scan3A_30 = arith.constant 1 : i32
    scf.for %scan3A_35 = %scan3A_27 to %scan3A_29 step %scan3A_30  : i32 {
      %mul3A_36 = arith.constant 80 : i32
      %mul3A_37 = arith.muli %scan3A_35, %mul3A_36 : i32
      %add3A_38 = arith.addi %mul3A_2, %mul3A_37 : i32
      "tpu.region"() ({
        %run_scoped3A = tpu.sem_alloc : memref<!tpu.dma_semaphore, #tpu.memory_space<semaphore_mem>>
        %dma_start3A = arith.constant 0 : i32
        %dma_start3A_42 = tpu.memref_slice %arg15[%add3A_38, %dma_start3A] : memref<10240x128xf32, #tpu.memory_space<vmem_shared>> -> memref<80x128xf32, #tpu.memory_space<vmem_shared>>
        %dma_start3A_43 = arith.constant 0 : i32
        %dma_start3A_44 = tpu.memref_slice %arg15[%add3A_38, %dma_start3A_43] : memref<10240x128xf32, #tpu.memory_space<vmem_shared>> -> memref<80x128xf32, #tpu.memory_space<vmem_shared>>
        tpu.enqueue_dma source(%dma_start3A_44 : memref<80x128xf32, #tpu.memory_space<vmem_shared>>) target(%arg12 : memref<80x128xf32, #tpu.memory_space<vmem>>) target_semaphore(%run_scoped3A : memref<!tpu.dma_semaphore, #tpu.memory_space<semaphore_mem>>)
        %dma_wait3A = arith.constant 0 : i32
        %dma_wait3A_45 = tpu.memref_slice %arg15[%add3A_38, %dma_wait3A] : memref<10240x128xf32, #tpu.memory_space<vmem_shared>> -> memref<80x128xf32, #tpu.memory_space<vmem_shared>>
        %dma_wait3A_46 = arith.constant 0 : i32
        %dma_wait3A_47 = tpu.memref_slice %arg15[%add3A_38, %dma_wait3A_46] : memref<10240x128xf32, #tpu.memory_space<vmem_shared>> -> memref<80x128xf32, #tpu.memory_space<vmem_shared>>
        tpu.wait_dma2 semaphore(%run_scoped3A : memref<!tpu.dma_semaphore, #tpu.memory_space<semaphore_mem>>) src(%dma_wait3A_47 : memref<80x128xf32, #tpu.memory_space<vmem_shared>>) dst(%arg12 : memref<80x128xf32, #tpu.memory_space<vmem>>)
        tpu.yield
      }) : () -> ()
      %mul3A_39 = arith.constant 80 : i32
      %mul3A_40 = arith.muli %scan3A_35, %mul3A_39 : i32
      %add3A_41 = arith.addi %add3A_25, %mul3A_40 : i32
      "tpu.region"() ({
        %run_scoped3A = tpu.sem_alloc : memref<!tpu.dma_semaphore, #tpu.memory_space<semaphore_mem>>
        %dma_start3A = arith.constant 0 : i32
        %dma_start3A_42 = tpu.memref_slice %arg6[%add3A_41, %dma_start3A] : memref<20480x128xf32, #tpu.memory_space<hbm>> -> memref<80x128xf32, #tpu.memory_space<hbm>>
        %dma_start3A_43 = arith.constant 0 : i32
        %dma_start3A_44 = tpu.memref_slice %arg6[%add3A_41, %dma_start3A_43] : memref<20480x128xf32, #tpu.memory_space<hbm>> -> memref<80x128xf32, #tpu.memory_space<hbm>>
        tpu.enqueue_dma source(%arg12 : memref<80x128xf32, #tpu.memory_space<vmem>>) target(%dma_start3A_44 : memref<80x128xf32, #tpu.memory_space<hbm>>) target_semaphore(%run_scoped3A : memref<!tpu.dma_semaphore, #tpu.memory_space<semaphore_mem>>)
        %dma_wait3A = arith.constant 0 : i32
        %dma_wait3A_45 = tpu.memref_slice %arg6[%add3A_41, %dma_wait3A] : memref<20480x128xf32, #tpu.memory_space<hbm>> -> memref<80x128xf32, #tpu.memory_space<hbm>>
        %dma_wait3A_46 = arith.constant 0 : i32
        %dma_wait3A_47 = tpu.memref_slice %arg6[%add3A_41, %dma_wait3A_46] : memref<20480x128xf32, #tpu.memory_space<hbm>> -> memref<80x128xf32, #tpu.memory_space<hbm>>
        tpu.wait_dma2 semaphore(%run_scoped3A : memref<!tpu.dma_semaphore, #tpu.memory_space<semaphore_mem>>) src(%arg12 : memref<80x128xf32, #tpu.memory_space<vmem>>) dst(%dma_wait3A_47 : memref<80x128xf32, #tpu.memory_space<hbm>>)
        tpu.yield
      }) : () -> ()
    }
    %scan3A_31 = arith.constant 8 : i32
    "tpu.region"() ({
      %run_scoped3A = tpu.sem_alloc : memref<!tpu.dma_semaphore, #tpu.memory_space<semaphore_mem>>
      %dma_start3A = arith.constant 0 : i32
      %dma_start3A_35 = arith.constant 0 : i32
      %dma_start3A_36 = tpu.memref_slice %arg12[%dma_start3A, %dma_start3A_35] : memref<80x128xf32, #tpu.memory_space<vmem>> -> memref<80x128xf32, #tpu.memory_space<vmem>>
      %dma_start3A_37 = arith.constant 0 : i32
      %dma_start3A_38 = tpu.memref_slice %arg16[%mul3A_4, %dma_start3A_37] : memref<1280x128xf32, #tpu.memory_space<vmem_shared>> -> memref<80x128xf32, #tpu.memory_space<vmem_shared>>
      %dma_start3A_39 = arith.constant 0 : i32
      %dma_start3A_40 = arith.constant 0 : i32
      %dma_start3A_41 = tpu.memref_slice %arg12[%dma_start3A_39, %dma_start3A_40] : memref<80x128xf32, #tpu.memory_space<vmem>> -> memref<80x128xf32, #tpu.memory_space<vmem>>
      %dma_start3A_42 = arith.constant 0 : i32
      %dma_start3A_43 = tpu.memref_slice %arg16[%mul3A_4, %dma_start3A_42] : memref<1280x128xf32, #tpu.memory_space<vmem_shared>> -> memref<80x128xf32, #tpu.memory_space<vmem_shared>>
      tpu.enqueue_dma source(%dma_start3A_43 : memref<80x128xf32, #tpu.memory_space<vmem_shared>>) target(%dma_start3A_41 : memref<80x128xf32, #tpu.memory_space<vmem>>) target_semaphore(%run_scoped3A : memref<!tpu.dma_semaphore, #tpu.memory_space<semaphore_mem>>)
      %dma_wait3A = arith.constant 0 : i32
      %dma_wait3A_44 = arith.constant 0 : i32
      %dma_wait3A_45 = tpu.memref_slice %arg12[%dma_wait3A, %dma_wait3A_44] : memref<80x128xf32, #tpu.memory_space<vmem>> -> memref<80x128xf32, #tpu.memory_space<vmem>>
      %dma_wait3A_46 = arith.constant 0 : i32
      %dma_wait3A_47 = tpu.memref_slice %arg16[%mul3A_4, %dma_wait3A_46] : memref<1280x128xf32, #tpu.memory_space<vmem_shared>> -> memref<80x128xf32, #tpu.memory_space<vmem_shared>>
      %dma_wait3A_48 = arith.constant 0 : i32
      %dma_wait3A_49 = arith.constant 0 : i32
      %dma_wait3A_50 = tpu.memref_slice %arg12[%dma_wait3A_48, %dma_wait3A_49] : memref<80x128xf32, #tpu.memory_space<vmem>> -> memref<80x128xf32, #tpu.memory_space<vmem>>
      %dma_wait3A_51 = arith.constant 0 : i32
      %dma_wait3A_52 = tpu.memref_slice %arg16[%mul3A_4, %dma_wait3A_51] : memref<1280x128xf32, #tpu.memory_space<vmem_shared>> -> memref<80x128xf32, #tpu.memory_space<vmem_shared>>
      tpu.wait_dma2 semaphore(%run_scoped3A : memref<!tpu.dma_semaphore, #tpu.memory_space<semaphore_mem>>) src(%dma_wait3A_52 : memref<80x128xf32, #tpu.memory_space<vmem_shared>>) dst(%dma_wait3A_50 : memref<80x128xf32, #tpu.memory_space<vmem>>)
      tpu.yield
    }) : () -> ()
    %mul3A_32 = arith.constant 1280 : i32
    %mul3A_33 = arith.muli %arg0, %mul3A_32 : i32
    %add3A_34 = arith.addi %mul3A_33, %mul3A_4 : i32
    "tpu.region"() ({
      %run_scoped3A = tpu.sem_alloc : memref<!tpu.dma_semaphore, #tpu.memory_space<semaphore_mem>>
      %dma_start3A = arith.constant 0 : i32
      %dma_start3A_35 = arith.constant 0 : i32
      %dma_start3A_36 = tpu.memref_slice %arg12[%dma_start3A, %dma_start3A_35] : memref<80x128xf32, #tpu.memory_space<vmem>> -> memref<80x128xf32, #tpu.memory_space<vmem>>
      %dma_start3A_37 = arith.constant 0 : i32
      %dma_start3A_38 = tpu.memref_slice %arg7[%add3A_34, %dma_start3A_37] : memref<2560x128xf32, #tpu.memory_space<hbm>> -> memref<80x128xf32, #tpu.memory_space<hbm>>
      %dma_start3A_39 = arith.constant 0 : i32
      %dma_start3A_40 = tpu.memref_slice %arg7[%add3A_34, %dma_start3A_39] : memref<2560x128xf32, #tpu.memory_space<hbm>> -> memref<80x128xf32, #tpu.memory_space<hbm>>
      %dma_start3A_41 = arith.constant 0 : i32
      %dma_start3A_42 = arith.constant 0 : i32
      %dma_start3A_43 = tpu.memref_slice %arg12[%dma_start3A_41, %dma_start3A_42] : memref<80x128xf32, #tpu.memory_space<vmem>> -> memref<80x128xf32, #tpu.memory_space<vmem>>
      tpu.enqueue_dma source(%dma_start3A_43 : memref<80x128xf32, #tpu.memory_space<vmem>>) target(%dma_start3A_40 : memref<80x128xf32, #tpu.memory_space<hbm>>) target_semaphore(%run_scoped3A : memref<!tpu.dma_semaphore, #tpu.memory_space<semaphore_mem>>)
      %dma_wait3A = arith.constant 0 : i32
      %dma_wait3A_44 = arith.constant 0 : i32
      %dma_wait3A_45 = tpu.memref_slice %arg12[%dma_wait3A, %dma_wait3A_44] : memref<80x128xf32, #tpu.memory_space<vmem>> -> memref<80x128xf32, #tpu.memory_space<vmem>>
      %dma_wait3A_46 = arith.constant 0 : i32
      %dma_wait3A_47 = tpu.memref_slice %arg7[%add3A_34, %dma_wait3A_46] : memref<2560x128xf32, #tpu.memory_space<hbm>> -> memref<80x128xf32, #tpu.memory_space<hbm>>
      %dma_wait3A_48 = arith.constant 0 : i32
      %dma_wait3A_49 = tpu.memref_slice %arg7[%add3A_34, %dma_wait3A_48] : memref<2560x128xf32, #tpu.memory_space<hbm>> -> memref<80x128xf32, #tpu.memory_space<hbm>>
      %dma_wait3A_50 = arith.constant 0 : i32
      %dma_wait3A_51 = arith.constant 0 : i32
      %dma_wait3A_52 = tpu.memref_slice %arg12[%dma_wait3A_50, %dma_wait3A_51] : memref<80x128xf32, #tpu.memory_space<vmem>> -> memref<80x128xf32, #tpu.memory_space<vmem>>
      tpu.wait_dma2 semaphore(%run_scoped3A : memref<!tpu.dma_semaphore, #tpu.memory_space<semaphore_mem>>) src(%dma_wait3A_52 : memref<80x128xf32, #tpu.memory_space<vmem>>) dst(%dma_wait3A_49 : memref<80x128xf32, #tpu.memory_space<hbm>>)
      tpu.yield
    }) : () -> ()
    return
  }
}

module attributes {stable_mosaic.version = 14 : i64} {
  func.func @_combine_body(%arg0: i32, %arg1: memref<2x1024x128xf32, #tpu.memory_space<vmem>>, %arg2: memref<2x1024x16xf32, #tpu.memory_space<vmem>>, %arg3: memref<1024x128xf32, #tpu.memory_space<vmem>>) attributes {dimension_semantics = [#tpu.dimension_semantics<arbitrary>], iteration_bounds = array<i64: 10>, scalar_prefetch = 0 : i64, scratch_operands = 0 : i64, tpu.core_type = #tpu.core_type<tc>, window_params = [{transform_indices = @transform_0, window_bounds = array<i64: 2, 1024, 128>}, {transform_indices = @transform_1, window_bounds = array<i64: 2, 1024, 16>}, {transform_indices = @transform_2, window_bounds = array<i64: 1024, 128>}]} {
    %get3A = arith.constant 0 : index
    %get3A_0 = arith.constant 0 : index
    %get3A_1 = arith.constant 0 : index
    %get3A_2 = vector.load %arg1[%get3A, %get3A_0, %get3A_1] : memref<2x1024x128xf32, #tpu.memory_space<vmem>>, vector<1x1024x128xf32>
    %get3A_3 = vector.shape_cast %get3A_2 : vector<1x1024x128xf32> to vector<1024x128xf32>
    %get3A_4 = arith.constant 1 : index
    %get3A_5 = arith.constant 0 : index
    %get3A_6 = arith.constant 0 : index
    %get3A_7 = vector.load %arg1[%get3A_4, %get3A_5, %get3A_6] : memref<2x1024x128xf32, #tpu.memory_space<vmem>>, vector<1x1024x128xf32>
    %get3A_8 = vector.shape_cast %get3A_7 : vector<1x1024x128xf32> to vector<1024x128xf32>
    %add3A = arith.addf %get3A_3, %get3A_8 : vector<1024x128xf32>
    %get3A_9 = arith.constant 0 : index
    %get3A_10 = arith.constant 0 : index
    %get3A_11 = arith.constant 0 : index
    %get3A_12 = vector.load %arg2[%get3A_9, %get3A_10, %get3A_11] : memref<2x1024x16xf32, #tpu.memory_space<vmem>>, vector<1x1024x1xf32>
    %get3A_13 = vector.shape_cast %get3A_12 : vector<1x1024x1xf32> to vector<1024x1xf32>
    %get3A_14 = arith.constant 1 : index
    %get3A_15 = arith.constant 0 : index
    %get3A_16 = arith.constant 0 : index
    %get3A_17 = vector.load %arg2[%get3A_14, %get3A_15, %get3A_16] : memref<2x1024x16xf32, #tpu.memory_space<vmem>>, vector<1x1024x1xf32>
    %get3A_18 = vector.shape_cast %get3A_17 : vector<1x1024x1xf32> to vector<1024x1xf32>
    %add3A_19 = arith.addf %get3A_13, %get3A_18 : vector<1024x1xf32>
    %div3A = vector.broadcast %add3A_19 : vector<1024x1xf32> to vector<1024x128xf32>
    %div3A_20 = arith.divf %add3A, %div3A : vector<1024x128xf32>
    %swap3A = arith.constant 0 : index
    %swap3A_21 = arith.constant 0 : index
    %swap3A_22 = vector.load %arg3[%swap3A, %swap3A_21] : memref<1024x128xf32, #tpu.memory_space<vmem>>, vector<1024x128xf32>
    tpu.vector_store %arg3[%swap3A, %swap3A_21], %div3A_20 {strides = array<i32>} : memref<1024x128xf32, #tpu.memory_space<vmem>>, vector<1024x128xf32>,
    return
  }
  func.func @transform_0(%arg0: i32) -> (i32, i32, i32) {
    %c0_i32 = arith.constant 0 : i32
    %c0_i32_0 = arith.constant 0 : i32
    %c0_i32_1 = arith.constant 0 : i32
    return %c0_i32, %arg0, %c0_i32_0 : i32, i32, i32
  }
  func.func @transform_1(%arg0: i32) -> (i32, i32, i32) {
    %c0_i32 = arith.constant 0 : i32
    %c0_i32_0 = arith.constant 0 : i32
    %c0_i32_1 = arith.constant 0 : i32
    return %c0_i32, %arg0, %c0_i32_0 : i32, i32, i32
  }
  func.func @transform_2(%arg0: i32) -> (i32, i32) {
    %c0_i32 = arith.constant 0 : i32
    %c0_i32_0 = arith.constant 0 : i32
    return %arg0, %c0_i32 : i32, i32
  }
}

module attributes {stable_mosaic.version = 14 : i64} {
  func.func @_mm_body(%arg0: i32, %arg1: memref<1000x128xf32, #tpu.memory_space<vmem>>, %arg2: memref<128x128xf32, #tpu.memory_space<vmem>>, %arg3: memref<1000x128xf32, #tpu.memory_space<vmem>>) attributes {dimension_semantics = [#tpu.dimension_semantics<arbitrary>], iteration_bounds = array<i64: 10>, scalar_prefetch = 0 : i64, scratch_operands = 0 : i64, tpu.core_type = #tpu.core_type<tc>, window_params = [{transform_indices = @transform_0, window_bounds = array<i64: 1000, 128>}, {pipeline_mode = #tpu.pipeline_mode<synchronous>, transform_indices = @transform_1, window_bounds = array<i64: 128, 128>}, {transform_indices = @transform_2, window_bounds = array<i64: 1000, 128>}]} {
    %get3A = arith.constant 0 : index
    %get3A_0 = arith.constant 0 : index
    %get3A_1 = vector.load %arg1[%get3A, %get3A_0] : memref<1000x128xf32, #tpu.memory_space<vmem>>, vector<1000x128xf32>
    %get3A_2 = arith.constant 0 : index
    %get3A_3 = arith.constant 0 : index
    %get3A_4 = vector.load %arg2[%get3A_2, %get3A_3] : memref<128x128xf32, #tpu.memory_space<vmem>>, vector<128x128xf32>
    %dot_general3A = arith.constant dense<0.000000e+00> : vector<1000x128xf32>
    %dot_general3A_5 = tpu.matmul %get3A_1, %get3A_4, %dot_general3A {dimension_numbers = #tpu.dot_dimension_numbers<[1], [0], [0], [1], [0, 0, 1, 1], [], []>, transpose_lhs_hint = false} : vector<1000x128xf32>, vector<128x128xf32>, vector<1000x128xf32> -> vector<1000x128xf32>
    %swap3A = arith.constant 0 : index
    %swap3A_6 = arith.constant 0 : index
    %swap3A_7 = vector.load %arg3[%swap3A, %swap3A_6] : memref<1000x128xf32, #tpu.memory_space<vmem>>, vector<1000x128xf32>
    tpu.vector_store %arg3[%swap3A, %swap3A_6], %dot_general3A_5 {strides = array<i32>} : memref<1000x128xf32, #tpu.memory_space<vmem>>, vector<1000x128xf32>,
    return
  }
  func.func @transform_0(%arg0: i32) -> (i32, i32) {
    %c0_i32 = arith.constant 0 : i32
    %c0_i32_0 = arith.constant 0 : i32
    return %arg0, %c0_i32 : i32, i32
  }
  func.func @transform_1(%arg0: i32) -> (i32, i32) {
    %c0_i32 = arith.constant 0 : i32
    %c0_i32_0 = arith.constant 0 : i32
    %c0_i32_1 = arith.constant 0 : i32
    return %c0_i32, %c0_i32_0 : i32, i32
  }
  func.func @transform_2(%arg0: i32) -> (i32, i32) {
    %c0_i32 = arith.constant 0 : i32
    %c0_i32_0 = arith.constant 0 : i32
    return %arg0, %c0_i32 : i32, i32
  }
}

</mosaic_0001>

<sc_bundles>
// kernel: kernel.5.cloned.1.call-start
scs
__scs_entry_jumppad:
0x0: {  	(pc) =	sbr.rel $0x88, $3  }
0x1: {  	(tag) =	ssettag $0x0;
	lr =	simm.s32 $0x1  }
0x2: {  	[smem:$0x3F9D] =	sst lr;
	_ =	strace $0xD0000000  }
0x3: {  	_ = 	snop  }
0x4: {  	_ = 	snop  }
0x5: {  	_ = 	snop  }
0x6: {  	_ = 	snop  }
0x7: {  	_ = 	snop  }
__scs_overlays_trampoline_lowered:
0x8: {  	[smem:$0x3FAC] =	sst s0  }
0x9: {  	[smem:$0x3FAD] =	sst s1  }
0xa: {  	[smem:$0x3FAE] =	sst s2  }
0xb: {  	[smem:$0x3FAF] =	sst s3  }
0xc: {  	[smem:$0x3FB0] =	sst s4  }
0xd: {  	[smem:$0x3FB1] =	sst s5  }
0xe: {  	[smem:$0x3FB2] =	sst s6  }
0xf: {  	[smem:$0x3FB3] =	sst s7  }
0x10: {  	[smem:$0x3FB4] =	sst s8  }
0x11: {  	[smem:$0x3FB5] =	sst s9;
	s0 =	simm.s32 @!p0 $0x0  }
0x12: {  	s1 =	sld [smem:$0x3F9B];
	s0 =	simm.s32 @p0 $0x1  }
0x13: {  	[smem:$0x3FB6] =	sst s0;
	s0 =	simm.s32 @!p1 $0x0  }
0x14: {  	s2 =	sld [smem:$0x3F9A];
	s0 =	simm.s32 @p1 $0x1  }
0x15: {  	[smem:$0x3FB7] =	sst s0;
	s0 =	simm.s32 @!p2 $0x0  }
0x16: {  	s3 =	sld [smem:$0x3FDB];
	s0 =	simm.s32 @p2 $0x1  }
0x17: {  	s4 =	simm.s32 $0x1BF5;
	[smem:$0x3FB9] =	sst s0  }
0x18: {  	s0 =	sld [smem:$0x3F9C];
	_ =	swait.ge [sflag:s4], $0x0  }
0x19: {  	s7 =	sld [smem:$0x3F9D]  }
0x1a: {  	s8 =	sadd.s32 $0xFFFFE003, lr  }
0x1b: {  	s9 =	sadd.s32 $0xFFFFFEF7, lr;
	s5 =	simm.s32 $0xFFFFFFFF;
	p2 =	slt.u32 s8, $0xFFFFF086  }
0x1c: {  	p1 =	slt.u32 s9, $0xF7A;
	s5 =	simm.s32 @!p2 $0x0  }
0x1d: {  	s5 =	simm.s32 @p1 $0x1;
	p0 =	seq.s32 s7, s2  }
0x1e: {  	s7 =	smul.u32 @!p0 $0xF7A, s2;
	p2 =	seq.s32 @!p0 s5, $0x0  }
0x1f: {  	s9 =	smul.u32 $0xF7A, s1;
	s8 =	simm.s32 @!p0 $0x1BF5;
	p2 =	por !p2, p0  }
0x20: {  	[sflag:s8] =	ssyncset.s32 @!p0 $0xFFFFF086;
	s6 =	sadd.s32 @!p0 s3, s7;
	s7 =	simm.s32 @!p0 $0x108  }
0x21: {  	s3 =	sadd.s32 s3, s9;
	s6 =	sadd.s32 @!p0 $0x88, s6;
	s7 =	simm.s32 @p2 $0x1082  }
0x22: {  	[simem:s7], [sflag:s8] =	dma.local @!p0 [hbm:s6], $0xF7A  }
0x23: {  	s9 =	sor.u32 $0xD0000000, s2;
	s6 =	simm.s32 $0x108;
	_ =	swait.ge @!p0 [sflag:s8], $0x0  }
0x24: {  	s3 =	sadd.s32 $0x88, s3;
	s6 =	simm.s32 @!p1 $0x1082;
	[sflag:s4] =	ssyncset.s32 $0xFFFFF086  }
0x25: {  	[simem:s6], [sflag:s4] =	dma.local [hbm:s3], $0xF7A  }
0x26: {  	[smem:$0x3F9D] =	sst s1;
	(tag) =	ssettag s2;
	_ =	strace s9  }
0x27: {  	s1 =	sld [smem:$0x3FAD]  }
0x28: {  	s2 =	sld [smem:$0x3FAE]  }
0x29: {  	s4 =	sld [smem:$0x3FB0]  }
0x2a: {  	p0 =	seq.s32 s5, $0x0;
	s5 =	sld [smem:$0x3FB1]  }
0x2b: {  	s6 =	sld [smem:$0x3FB2]  }
0x2c: {  	s7 =	sld [smem:$0x3FB3]  }
0x2d: {  	s3 =	simm.s32 $0x108;
	s8 =	sld [smem:$0x3FB4]  }
0x2e: {  	s3 =	simm.s32 @!p0 $0x1082;
	s9 =	sld [smem:$0x3FB5]  }
0x2f: {  	lr =	sadd.s32 s0, s3;
	s0 =	sld [smem:$0x3FAC]  }
0x30: {  	s3 =	sld [smem:$0x3FAF]  }
0x31: {  	[smem:$0x3FB8] =	sst s10  }
0x32: {  	s10 =	sld [smem:$0x3FB6];
	_ =	sdelay $0x3  }
0x33: {  	p0 =	seq.s32 s10, $0x1;
	s10 =	sld [smem:$0x3FB8];
	_ =	sdelay $0x3  }
0x34: {  	[smem:$0x3FB8] =	sst s10  }
0x35: {  	s10 =	sld [smem:$0x3FB7];
	_ =	sdelay $0x3  }
0x36: {  	p1 =	seq.s32 s10, $0x1;
	s10 =	sld [smem:$0x3FB8];
	_ =	sdelay $0x3  }
0x37: {  	[smem:$0x3FB8] =	sst s10  }
0x38: {  	s10 =	sld [smem:$0x3FB9]  }
0x39: {  	_ = 	snop;
	(pc) =	sbr.ind lr, $3  }
0x3a: {  	_ = 	snop  }
0x3b: {  	_ = 	snop  }
0x3c: {  	p2 =	seq.s32 s10, $0x1;
	s10 =	sld [smem:$0x3FB8]  }
0x3d: {  	_ =	shalt  }
0x3e: {  	_ =	shalt  }
0x3f: {  	_ =	shalt  }
0x40: {  	_ =	shalt  }
0x41: {  	_ =	shalt  }
0x42: {  	_ =	shalt  }
0x43: {  	_ =	shalt  }
0x44: {  	_ =	shalt  }
0x45: {  	_ =	shalt  }
0x46: {  	_ =	shalt  }
0x47: {  	_ =	shalt  }
0x48: {  	_ =	shalt  }
0x49: {  	_ =	shalt  }
0x4a: {  	_ =	shalt  }
0x4b: {  	_ =	shalt  }
0x4c: {  	_ =	shalt  }
0x4d: {  	_ =	shalt  }
0x4e: {  	_ =	shalt  }
0x4f: {  	_ =	shalt  }
0x50: {  	_ =	shalt  }
0x51: {  	_ =	shalt  }
0x52: {  	_ =	shalt  }
0x53: {  	_ =	shalt  }
0x54: {  	_ =	shalt  }
0x55: {  	_ =	shalt  }
0x56: {  	_ =	shalt  }
0x57: {  	_ =	shalt  }
0x58: {  	_ =	shalt  }
0x59: {  	_ =	shalt  }
0x5a: {  	_ =	shalt  }
0x5b: {  	_ =	shalt  }
0x5c: {  	_ =	shalt  }
0x5d: {  	_ =	shalt  }
0x5e: {  	_ =	shalt  }
0x5f: {  	_ =	shalt  }
0x60: {  	_ =	shalt  }
0x61: {  	_ =	shalt  }
0x62: {  	_ =	shalt  }
0x63: {  	_ =	shalt  }
0x64: {  	_ =	shalt  }
0x65: {  	_ =	shalt  }
0x66: {  	_ =	shalt  }
0x67: {  	_ =	shalt  }
0x68: {  	_ =	shalt  }
0x69: {  	_ =	shalt  }
0x6a: {  	_ =	shalt  }
0x6b: {  	_ =	shalt  }
0x6c: {  	_ =	shalt  }
0x6d: {  	_ =	shalt  }
0x6e: {  	_ =	shalt  }
0x6f: {  	_ =	shalt  }
0x70: {  	_ =	shalt  }
0x71: {  	_ =	shalt  }
0x72: {  	_ =	shalt  }
0x73: {  	_ =	shalt  }
0x74: {  	_ =	shalt  }
0x75: {  	_ =	shalt  }
0x76: {  	_ =	shalt  }
0x77: {  	_ =	shalt  }
0x78: {  	_ =	shalt  }
0x79: {  	_ =	shalt  }
0x7a: {  	_ =	shalt  }
0x7b: {  	_ =	shalt  }
0x7c: {  	_ =	shalt  }
0x7d: {  	_ =	shalt  }
0x7e: {  	_ =	shalt  }
0x7f: {  	_ =	shalt  }
0x80: {  	_ =	shalt  }
0x81: {  	_ =	shalt  }
0x82: {  	_ =	shalt  }
0x83: {  	_ =	shalt  }
0x84: {  	_ =	shalt  }
0x85: {  	_ =	shalt  }
0x86: {  	_ =	shalt  }
0x87: {  	_ =	shalt  }
.Lfunc_end0:
.L_simem_size_0:
called_computation_lowered:
.L_overlay_start_0:
0x88: {  	s2 =	sld [smem:$0x3FD9]  }
0x89: {  	s3 =	sld [smem:$0x3FFE];
	_ =	sdelay $0x1  }
0x8a: {  	s1 =	srdreg.scid  }
0x8b: {  	s0 =	sand.u32 $0x1, s1  }
0x8c: {  	s17 =	sshll.u32 s0, $0xA;
	s2 =	sadd.s32 s3, s2  }
0x8d: {  	s2 =	sadd.s32 s2, s17  }
0x8e: {  	[smem:$0x3FC4] =	sst s2  }
0x8f: {  	_ = 	snop  }
0x90: {  	s2 =	sld [smem:$0x3FD0];
	(tm) =	ssettm $0x1  }
0x91: {  	s18 =	sld [smem:$0x3FFB];
	_ =	sdelay $0x3  }
0x92: {  	_ =	strace s18  }
0x93: {  	s3 =	sld [smem:$0x3FFC];
	_ =	sdelay $0x3  }
0x94: {  	_ =	strace s3  }
0x95: {  	s3 =	sld [smem:$0x3FFD];
	_ =	sdelay $0x3  }
0x96: {  	_ =	strace s3  }
0x97: {  	_ =	strace $0x8FFFFFFF  }
0x98: {  	s19 =	sld [smem:$0x3FDB];
	_ =	sdelay $0x1  }
0x99: {  	s4 =	simm.s32 $_scs_section_size  }
0x9a: {  	s5 =	simm.s32 $_size__tile_overlayer_lowered;
	s6 =	simm.s32 $_tile_overlayer_lowered  }
0x9b: {  	s22 =	simm.s32 $0x1BFF;
	s21 =	sshll.u32 s6, $0x1;
	s3 =	sadd.s32 s4, s19  }
0x9c: {  	s7 =	simm.s32 $0x0;
	s20 =	sshll.u32 s5, $0x1;
	s5 =	sadd.s32 s21, s3  }
0x9d: {  	[timem:s7], [sflag:s22] =	dma.local [hbm:s5], s20  }
0x9e: {  	_ =	swait.ge [sflag:s22], s20  }
0x9f: {  	s4 =	ssub.s32 $0x0, s20;
	[sflag:s22] =	ssyncset.done $0x0  }
0xa0: {  	[sflag:s22] =	ssyncadd.s32 s4;
	_ =	sdelay $0x1  }
0xa1: {  	s23 =	simm.s32 $0x1B8B  }
0xa2: {  	_ =	swait.ge [sflag:s23], $0x1  }
0xa3: {  	[sflag:s23] =	ssyncset.done $0x0  }
0xa4: {  	s25 =	simm.s32 $0x1B8E;
	s24 =	sld [smem:$0x3FFE];
	[sflag:s23] =	ssyncadd.s32 $0xFFFFFFFF  }
0xa5: {  	s26 =	simm.s32 $execute0_lowered;
	[smem:$0x3FD2] =	sst s25  }
0xa6: {  	s5 =	sshll.u32 s26, $0x1;
	_ =	strace $0x80000046;
	[dreg:$0x1] =	wrdreg $0xFFFFFFFF  }
0xa7: {  	s28 =	simm.s32 $_size_execute0_lowered;
	s3 =	sadd.s32 s3, s5;
	[dreg:$0x0] =	wrdreg $0x0  }
0xa8: {  	s5 =	sshll.u32 s28, $0x1;
	[dreg:$0x2] =	wrdreg s3  }
0xa9: {  	[dreg:$0x3] =	wrdreg s5  }
0xaa: {  	[dreg:$0x4] =	wrdreg $0xC0  }
0xab: {  	_ =	task [dreg:s7], $0x5FFFF  }
0xac: {  	[dreg:$0x1] =	wrdreg $0xFFFFFFFF  }
0xad: {  	[dreg:$0x0] =	wrdreg $0x60  }
0xae: {  	[dreg:$0x2] =	wrdreg s2  }
0xaf: {  	[dreg:$0x3] =	wrdreg s24  }
0xb0: {  	[dreg:$0x4] =	wrdreg $0x7A000  }
0xb1: {  	[dreg:$0x5] =	wrdreg $0x1BA000  }
0xb2: {  	[dreg:$0x6] =	wrdreg $0x9  }
0xb3: {  	_ =	task.clear_ibuf [dreg:s7], $0x7FFFF;
	_ =	strace $0x90000046  }
0xb4: {  	s29 =	simm.s32 $0x9;
	_ =	strace $0x80000048  }
0xb5: {  	_ =	swait.ge [sflag:s29], $0x1  }
0xb6: {  	[sflag:s29] =	ssyncadd.s32 $0xFFFFFFFF  }
0xb7: {  	_ =	strace $0x90000048  }
0xb8: {  	_ =	sfence  }
0xb9: {  	s30 =	sld [smem:$0x0];
	_ =	sdelay $0x2  }
0xba: {  	s31 =	sshll.u32 s1, $0xD;
	s1 =	sshrl.u32 s1, $0x2  }
0xbb: {  	s3 =	sand.u32 $0x4000, s31;
	s1 =	sadd.s32 s1, s30  }
0xbc: {  	s0 =	sor.u32 s3, s0;
	s1 =	sshll.u32 s1, $0x11  }
0xbd: {  	s0 =	sor.u32 s1, s0  }
0xbe: {  	s0 =	sadd.s32 $0x8F2B, s0  }
0xbf: {  	[sflag:s0] =	ssyncadd.remote.s32 $0x1  }
0xc0: {  	_ =	sfence.sel $0xFFFF  }
0xc1: {  	[dreg:$0x0] =	wrdreg $0xFFFFFFFF;
	(pc) =	sbr.abs _section_cstart, $3  }
0xc2: {  	[dreg:$0x1] =	wrdreg $0xFFFFFFFF  }
0xc3: {  	_ =	task.clear_ibuf [dreg:s7], $0x2FFFF;
	_ =	strace $0x9FFFFFFF  }
0xc4: {  	(tm) =	ssettm $0x7FFFFFFF  }
0xc5: {  	_ =	shalt  }
tec
execute0_lowered:
.L_overlay_start_1:
0x0: {  	(tag) =	ssettag $0x1  }
0x1: {  	s1 =	rddreg [dreg:$0x0]  }
0x2: {  	s0 =	rddreg [dreg:$0x1];
	s13 =	stileid.u32  }
0x3: {  	s3 =	rddreg [dreg:$0x2];
	s6 =	smul.u32 $0x280, s13  }
0x4: {  	s2 =	srdreg.scid;
	s8 =	smul.u32 $0x500, s13  }
0x5: {  	s4 =	rddreg [dreg:$0x3];
	s5 =	simm.s32 $0x0;
	s28 =	smul.u32 $0x50000, s13  }
0x6: {  	s31 =	simm.s32 $0x3;
	s2 =	sand.u32 $0x1, s2;
	s12 =	smul.u32 $0xA000, s13  }
0x7: {  	[smem:$0x7FF] =	sst s5;
	s11 =	sadd.s32 $0x14600, s0;
	s7 =	smul.u32 $0x2800, s2  }
0x8: {  	_ =	strace $0x80000047;
	s10 =	smul.u32 $0x5000, s2;
	s26 =	ssub.s32 $0x2, s2  }
0x9: {  	[dreg:$0x5] =	wrdreg s11;
	s29 =	sshrl.u32 s26, $0x1;
	s12 =	sshrl.u32 s12, $0x2  }
0xa: {  	s7 =	sadd.s32 s6, s7;
	s6 =	sadd.s32 $0xA800, s0;
	s8 =	sadd.s32 s8, s10  }
0xb: {  	s10 =	sshrl.u32 s28, $0x2;
	s23 =	sadd.s32 s12, s4;
	s9 =	sshll.u32 s7, $0x4  }
0xc: {  	s7 =	sadd.s32 $0xA00, s0;
	s24 =	sadd.s32 s10, s3;
	[dreg:$0x7] =	wrdreg s23  }
0xd: {  	s11 =	sadd.s32 s9, s0;
	s0 =	sadd.s32 s8, s0;
	s28 =	sadd.s32 $0xF000, s24  }
0xe: {  	s8 =	ssub.s32 s26, s29;
	s29 =	sadd.s32 $0x11800, s24;
	[dreg:$0x12] =	wrdreg s28  }
0xf: {  	s30 =	simm.s32 $0x50;
	s0 =	sadd.s32 $0x14800, s0;
	[dreg:$0x13] =	wrdreg s29  }
0x10: {  	v0 =	vimm.s32 $0xFEDCBA98;
	v1 =	vimm.s32 $0x76543210;
	s2 =	sshll.u32 s2, $0x4;
	s12 =	sadd.s32 $0x1E800, s11;
	[dreg:$0x6] =	wrdreg s0  }
0x11: {  	v2 =	vimm.s32 $0xBA98FEDC;
	v3 =	vimm.s32 $0x32107654;
	s2 =	sor.u32 s13, s2;
	s13 =	sadd.s32 $0x1ED00, s11;
	[dreg:$0x8] =	wrdreg s12  }
0x12: {  	v4 =	vimm.s32 $0xDCFE98BA;
	v5 =	vimm.s32 $0x54761032;
	s10 =	smul.u32 $0x2710, s2;
	s16 =	sadd.s32 $0x1F200, s11;
	[dreg:$0x9] =	wrdreg s13  }
0x13: {  	v6 =	vimm.s32 $0xEFCDAB89;
	v7 =	vimm.s32 $0x67452301;
	s2 =	simm.s32 $0x2980;
	s17 =	sadd.s32 $0x1F700, s11;
	[dreg:$0xa] =	wrdreg s16  }
0x14: {  	v0 =	vunpack.c.l.s4.s8 v0;
	v1 =	vunpack.c.l.s4.s8 v1;
	v2 =	vunpack.c.l.s4.s8 v2;
	s14 =	sadd.s32 $0x2800, s24;
	s18 =	sadd.s32 $0x1FC00, s11;
	[dreg:$0xb] =	wrdreg s17  }
0x15: {  	v3 =	vunpack.c.l.s4.s8 v3;
	v4 =	vunpack.c.l.s4.s8 v4;
	v5 =	vunpack.c.l.s4.s8 v5;
	s15 =	sadd.s32 $0x5000, s24;
	s19 =	smax.u32 s8, $0x1;
	[dreg:$0xc] =	wrdreg s18  }
0x16: {  	v6 =	vunpack.c.l.s4.s8 v6;
	v7 =	vunpack.c.l.s4.s8 v7;
	v0 =	vunpack.c.0.s8.s32 v0;
	s21 =	sadd.s32 $0x7800, s24;
	s20 =	sadd.s32 $0x20100, s11;
	[dreg:$0xd] =	wrdreg s19  }
0x17: {  	v1 =	vunpack.c.0.s8.s32 v1;
	v2 =	vunpack.c.0.s8.s32 v2;
	v3 =	vunpack.c.0.s8.s32 v3;
	s22 =	sadd.s32 $0xA000, s24;
	s25 =	sadd.s32 $0x20600, s11;
	[dreg:$0xe] =	wrdreg s20  }
0x18: {  	v4 =	vunpack.c.0.s8.s32 v4;
	v5 =	vunpack.c.0.s8.s32 v5;
	v0 =	vand.u32 $0xF, v0;
	s26 =	sadd.s32 $0x20B00, s11;
	s8 =	simm.s32 $0x180;
	[dreg:$0xf] =	wrdreg s25  }
0x19: {  	v6 =	vunpack.c.0.s8.s32 v6;
	v7 =	vunpack.c.0.s8.s32 v7;
	v0 =	vcombine.low v0, v1;
	s11 =	simm.s32 $0x1;
	[dreg:$0x10] =	wrdreg s26;
	s25 =	sadd.s32 $0xC800, s24  }
0x1a: {  	v1 =	vcombine.low v3, v2;
	v2 =	vcombine.low v5, v4;
	s0 =	simm.s32 $0x80;
	s17 =	simm.s32 $0x2;
	s18 =	simm.s32 $0x100  }
0x1b: {  	v3 =	vimm.f32 $0.0e+00;
	v4 =	vcombine.low v7, v6;
	v5 =	vimm.s32 $0x0;
	s19 =	simm.s32 $0x5180;
	s20 =	simm.s32 $0x0;
	[dreg:$0x11] =	wrdreg s25  }
.LBB2_1:
0x1c: {  	s12 =	rddreg [dreg:$0x5];
	s9 =	simm.s32 $0x7980  }
0x1d: {  	[tilespmem:s9], [sflag:$0x3] =	stream.linear.gather [hbm4b:s12+s5], $0x80, $0x38;
	[tilespmem:$0x1E200] =	vst v63  }
0x1e: {  	_ =	swait.ge [sflag:s31], $0x80  }
0x1f: {  	[sflag:s31] =	ssyncset.done $0x0  }
0x20: {  	s13 =	simm.s32 $0x200;
	s12 =	simm.s32 $0x0;
	[sflag:s31] =	ssyncadd.s32 $0xFFFFFF80  }
.LBB2_2:
0x21: {  	p0 =	sne.s32 s13, $0x9E00;
	[tilespmem:s12+$0x29F0] =	vst v3  }
0x22: {  	[tilespmem:s12+$0x2980] =	vst v3  }
0x23: {  	[tilespmem:s12+$0x2990] =	vst v3  }
.Ltmp0:
0x24: {  	[tilespmem:s12+$0x29A0] =	vst v3;
	(pc) =	sbr.rel @p0 .LBB2_2-.Ltmp0, $4  }
0x25: {  	[tilespmem:s12+$0x29B0] =	vst v3  }
0x26: {  	[tilespmem:s12+$0x29C0] =	vst v3  }
0x27: {  	[tilespmem:s12+$0x29D0] =	vst v3  }
0x28: {  	[tilespmem:s12+$0x29E0] =	vst v3;
	s12 =	sshra.s32 s13, $0x2;
	s13 =	sadd.s32 $0x200, s13  }
0x29: {  	[tilespmem:s12+$0x29F0] =	vst v3  }
0x2a: {  	[tilespmem:s12+$0x2980] =	vst v3  }
0x2b: {  	[tilespmem:s12+$0x2990] =	vst v3  }
0x2c: {  	[tilespmem:s12+$0x29A0] =	vst v3  }
0x2d: {  	[tilespmem:s12+$0x29B0] =	vst v3  }
0x2e: {  	[tilespmem:s12+$0x29C0] =	vst v3  }
0x2f: {  	[tilespmem:s12+$0x29D0] =	vst v3  }
0x30: {  	[tilespmem:s12+$0x29E0] =	vst v3  }
0x31: {  	[spmem:s24] =	stream.linear.scatter [tilespmem:s2], [sflag:$0x3], $0x2800, $0x38;
	[tilespmem:$0x1E200] =	vst v63  }
0x32: {  	_ =	swait.ge [sflag:s31], $0x2800  }
0x33: {  	[sflag:s31] =	ssyncset.done $0x0  }
0x34: {  	[sflag:s31] =	ssyncadd.s32 $0xFFFFD800  }
0x35: {  	[spmem:s14] =	stream.linear.scatter [tilespmem:s2], [sflag:$0x3], $0x2800, $0x38;
	[tilespmem:$0x1E200] =	vst v63  }
0x36: {  	_ =	swait.ge [sflag:s31], $0x2800  }
0x37: {  	[sflag:s31] =	ssyncset.done $0x0  }
0x38: {  	[sflag:s31] =	ssyncadd.s32 $0xFFFFD800  }
0x39: {  	[spmem:s15] =	stream.linear.scatter [tilespmem:s2], [sflag:$0x3], $0x2800, $0x38;
	[tilespmem:$0x1E200] =	vst v63  }
0x3a: {  	_ =	swait.ge [sflag:s31], $0x2800  }
0x3b: {  	[sflag:s31] =	ssyncset.done $0x0  }
0x3c: {  	[sflag:s31] =	ssyncadd.s32 $0xFFFFD800  }
0x3d: {  	[spmem:s21] =	stream.linear.scatter [tilespmem:s2], [sflag:$0x3], $0x2800, $0x38;
	[tilespmem:$0x1E200] =	vst v63  }
0x3e: {  	_ =	swait.ge [sflag:s31], $0x2800  }
0x3f: {  	[sflag:s31] =	ssyncset.done $0x0  }
0x40: {  	[sflag:s31] =	ssyncadd.s32 $0xFFFFD800  }
0x41: {  	[spmem:s22] =	stream.linear.scatter [tilespmem:s2], [sflag:$0x3], $0x2800, $0x38;
	[tilespmem:$0x1E200] =	vst v63  }
0x42: {  	_ =	swait.ge [sflag:s31], $0x2800  }
0x43: {  	[sflag:s31] =	ssyncset.done $0x0  }
0x44: {  	[sflag:s31] =	ssyncadd.s32 $0xFFFFD800  }
0x45: {  	[spmem:s25] =	stream.linear.scatter [tilespmem:s2], [sflag:$0x3], $0x2800, $0x38;
	[tilespmem:$0x1E200] =	vst v63  }
0x46: {  	_ =	swait.ge [sflag:s31], $0x2800  }
0x47: {  	[sflag:s31] =	ssyncset.done $0x0  }
0x48: {  	s9 =	smov.u32 s24;
	s24 =	rddreg [dreg:$0x12];
	[sflag:s31] =	ssyncadd.s32 $0xFFFFD800  }
0x49: {  	[spmem:s24] =	stream.linear.scatter [tilespmem:s2], [sflag:$0x3], $0x2800, $0x38;
	[tilespmem:$0x1E200] =	vst v63  }
0x4a: {  	_ =	swait.ge [sflag:s31], $0x2800  }
0x4b: {  	[sflag:s31] =	ssyncset.done $0x0  }
0x4c: {  	s25 =	rddreg [dreg:$0x13];
	[sflag:s31] =	ssyncadd.s32 $0xFFFFD800  }
0x4d: {  	[spmem:s25] =	stream.linear.scatter [tilespmem:s2], [sflag:$0x3], $0x2800, $0x38;
	[tilespmem:$0x1E200] =	vst v63  }
0x4e: {  	_ =	swait.ge [sflag:s31], $0x2800  }
0x4f: {  	[sflag:s31] =	ssyncset.done $0x0  }
0x50: {  	[sflag:s31] =	ssyncadd.s32 $0xFFFFD800  }
0x51: {  	[spmem:s23] =	stream.linear.scatter [tilespmem:s2], [sflag:$0x3], $0x2800, $0x38;
	[tilespmem:$0x1E200] =	vst v63  }
0x52: {  	_ =	swait.ge [sflag:s31], $0x2800  }
0x53: {  	s16 =	smov.u32 s14;
	s26 =	smov.u32 s15;
	[sflag:s31] =	ssyncset.done $0x0  }
0x54: {  	s28 =	smov.u32 s21;
	s29 =	smov.u32 s22;
	[sflag:s31] =	ssyncadd.s32 $0xFFFFD800  }
0x55: {  	s21 =	simm.s32 $0x0;
	s22 =	simm.s32 $0x0;
	[bflag:$0x0] =	sbarrier.arrive $0xFFFF  }
.LBB2_4:
0x56: {  	s12 =	smul.u32 $0x50, s22;
	_ =	sdelay $0x1  }
0x57: {  	s12 =	sadd.s32 s10, s12  }
0x58: {  	s12 =	sshrl.u32 s12, $0x3  }
0x59: {  	s13 =	sadd.s32 s6, s12  }
0x5a: {  	[tilespmem:s21], [sflag:$0x3] =	stream.linear.gather [hbm4b:s13+s21], $0x50, $0x38;
	[tilespmem:$0x1E200] =	vst v63  }
0x5b: {  	_ =	swait.ge [sflag:s31], $0x50  }
0x5c: {  	[sflag:s31] =	ssyncset.done $0x0  }
0x5d: {  	s12 =	sadd.s32 s7, s12;
	[sflag:s31] =	ssyncadd.s32 $0xFFFFFFB0  }
0x5e: {  	[tilespmem:s0], [sflag:$0x3] =	stream.linear.gather [hbm4b:s12+s21], $0x50, $0x38;
	[tilespmem:$0x1E200] =	vst v63  }
0x5f: {  	_ =	swait.ge [sflag:s31], $0x50  }
0x60: {  	[sflag:s31] =	ssyncset.done $0x0  }
0x61: {  	[sflag:s31] =	ssyncadd.s32 $0xFFFFFFB0  }
0x62: {  	[tilespmem:s8], [sflag:$0x1] =	stream.indirect.gather [hbm4b:s1+s30], $0x80, s21, s30, $0xb8;
	[tilespmem:$0x1E200] =	vst v63  }
0x63: {  	_ =	swait.ge [sflag:s11], $0x2800  }
0x64: {  	[sflag:s11] =	ssyncset.done $0x0  }
0x65: {  	[sflag:s11] =	ssyncadd.s32 $0xFFFFD800  }
0x66: {  	[tilespmem:s2], [sflag:$0x2] =	stream.indirect.gather [hbm4b:s1+s30], $0x80, s0, s30, $0xb8;
	[tilespmem:$0x1E200] =	vst v63  }
0x67: {  	_ =	swait.ge [sflag:s17], $0x2800  }
0x68: {  	[sflag:s17] =	ssyncset.done $0x0  }
0x69: {  	s23 =	simm.s32 $0x29C0;
	[sflag:s17] =	ssyncadd.s32 $0xFFFFD800  }
0x6a: {  	s24 =	simm.s32 $0x1C0;
	v8 =	vld [tilespmem:s23+$0xFFFFFFC0]  }
0x6b: {  	v6 =	vld [tilespmem:s24+$0xFFFFFFD0]  }
0x6c: {  	v9 =	vld [tilespmem:s23+$0xFFFFFFD0]  }
0x6d: {  	v7 =	vld [tilespmem:s24+$0xFFFFFFC0]  }
0x6e: {  	v10 =	vld [tilespmem:s24+$0xFFFFFFE0]  }
0x6f: {  	v11 =	vld [tilespmem:s23+$0xFFFFFFE0]  }
0x70: {  	v12 =	vld [tilespmem:s24+$0xFFFFFFF0]  }
0x71: {  	v13 =	vld [tilespmem:s23+$0xFFFFFFF0]  }
0x72: {  	v14 =	vld [tilespmem:s24+$0x0];
	v6 =	vmul.f32 v9, v6;
	v7 =	vmul.f32 v8, v7  }
0x73: {  	v15 =	vld [tilespmem:s23+$0x0]  }
0x74: {  	v16 =	vld [tilespmem:s23+$0x10];
	v6 =	vadd.f32 v6, v7;
	v7 =	vmul.f32 v11, v10  }
0x75: {  	v10 =	vld [tilespmem:s24+$0x10]  }
0x76: {  	v61 =	vld [tilespmem:s23+$0x20];
	v6 =	vadd.f32 v7, v6;
	v7 =	vmul.f32 v13, v12  }
0x77: {  	v17 =	vld [tilespmem:s24+$0x20]  }
0x78: {  	v62 =	vld [tilespmem:s23+$0x30];
	v6 =	vadd.f32 v7, v6;
	v7 =	vmul.f32 v15, v14  }
0x79: {  	v18 =	vld [tilespmem:s24+$0x30]  }
0x7a: {  	v6 =	vadd.f32 v7, v6;
	v7 =	vmul.f32 v16, v10;
	_ =	sdelay $0x1  }
0x7b: {  	v6 =	vadd.f32 v7, v6;
	v7 =	vmul.f32 v61, v17;
	_ =	sdelay $0x1  }
0x7c: {  	v6 =	vadd.f32 v7, v6;
	v7 =	vmul.f32 v62, v18;
	_ =	sdelay $0x1  }
0x7d: {  	v6 =	vadd.f32 v7, v6;
	_ =	sdelay $0x1  }
0x7e: {  	v7 =	vperm.xlane v6, v0;
	_ =	sdelay $0x1  }
0x7f: {  	v6 =	vadd.f32 v6, v7;
	_ =	sdelay $0x1  }
0x80: {  	v7 =	vperm.xlane v6, v1;
	_ =	sdelay $0x1  }
0x81: {  	v6 =	vadd.f32 v6, v7;
	_ =	sdelay $0x1  }
0x82: {  	v7 =	vperm.xlane v6, v2;
	_ =	sdelay $0x1  }
0x83: {  	v7 =	vadd.f32 v6, v7  }
0x84: {  	v6 =	vld [tilespmem:$0x7980]  }
0x85: {  	v10 =	vperm.xlane v7, v4;
	_ =	sdelay $0x1  }
0x86: {  	v7 =	vadd.f32 v7, v10;
	_ =	sdelay $0x1  }
0x87: {  	v7 =	vmul.f32 v7, v6;
	_ =	sdelay $0x1  }
0x88: {  	v7 =	vmul.f32 $1.442695020e+00, v7;
	_ =	sdelay $0x1  }
0x89: {  	(erf) = vpow2.f32 v7;
	_ =	sdelay $0x8  }
0x8a: {  	v7 =	vpop (erf)  }
0x8b: {  	v10 =	vmul.f32 v7, v62  }
0x8c: {  	v12 =	vmul.f32 v7, v61  }
0x8d: {  	v9 =	vmul.f32 v7, v9;
	[tilespmem:s23+$0x30] =	vst v10  }
0x8e: {  	v63 =	vmul.f32 v7, v13;
	[tilespmem:s23+$0x20] =	vst v12  }
0x8f: {  	v8 =	vmul.f32 v7, v8;
	[tilespmem:s23+$0xFFFFFFD0] =	vst v9  }
0x90: {  	v10 =	vmul.f32 v7, v15;
	[tilespmem:s23+$0xFFFFFFF0] =	vst v63  }
0x91: {  	v9 =	vmul.f32 v7, v16;
	[tilespmem:s23+$0xFFFFFFC0] =	vst v8  }
0x92: {  	[tilespmem:s23+$0x0] =	vst v10;
	v10 =	vmul.f32 v7, v11  }
0x93: {  	[tilespmem:s23+$0x10] =	vst v9  }
0x94: {  	s14 =	sand.u32 $0x70, s21;
	[tilespmem:s23+$0xFFFFFFE0] =	vst v10  }
0x95: {  	v8 =	vld [tilespmem:s14+$0x0];
	_ =	sdelay $0x3  }
0x96: {  	s25 =	simm.s32 $0x51C0;
	s13 =	simm.s32 $0x1;
	s12 =	simm.s32 $0x51C0;
	v9 =	vmov s21  }
.LBB2_5:
0x97: {  	v8 =	vperm.xlane v8, v9;
	s24 =	sadd.s32 $0x80, s24;
	s23 =	sadd.s32 $0x80, s23;
	s12 =	sadd.s32 $0x80, s12  }
0x98: {  	p0 =	sne.s32 s13, $0x4F;
	s14 =	smov.u32 s13;
	s13 =	sadd.s32 $0x1, s13  }
0x99: {  	v8 =	vshll.u32 v8, $0x4  }
0x9a: {  	v8 =	vand.u32 $0x70, v8  }
0x9b: {  	vm0 =	veq.s32 v8, $0x0;
	vm1 =	veq.s32 v8, $0x10;
	vm2 =	veq.s32 v8, $0x40  }
0x9c: {  	vm3 =	veq.s32 v8, $0x20;
	v9 =	vsel vm2, $0x3F800000, v5;
	vm2 =	veq.s32 v8, $0x50  }
0x9d: {  	vm4 =	veq.s32 v8, $0x30;
	v9 =	vmul.f32 v9, v7;
	v10 =	vsel vm2, $0x3F800000, v5  }
0x9e: {  	vm5 =	veq.s32 v8, $0x70;
	vm2 =	veq.s32 v8, $0x60;
	v10 =	vmul.f32 v10, v7  }
0x9f: {  	v11 =	vsel vm3, $0x3F800000, v5;
	v8 =	vsel vm0, $0x3F800000, v5;
	[tilespmem:s25+$0x0] =	vst v9;
	v9 =	vsel vm5, $0x3F800000, v5  }
0xa0: {  	v12 =	vsel vm4, $0x3F800000, v5;
	v11 =	vmul.f32 v11, v7;
	[tilespmem:s25+$0x10] =	vst v10;
	v9 =	vmul.f32 v9, v7  }
0xa1: {  	v12 =	vmul.f32 v12, v7;
	v8 =	vmul.f32 v8, v7;
	v10 =	vsel vm1, $0x3F800000, v5  }
0xa2: {  	v13 =	vsel vm2, $0x3F800000, v5;
	v10 =	vmul.f32 v10, v7;
	[tilespmem:s25+$0x30] =	vst v9  }
0xa3: {  	v7 =	vmul.f32 v13, v7;
	[tilespmem:s25+$0xFFFFFFF0] =	vst v12  }
0xa4: {  	[tilespmem:s25+$0xFFFFFFE0] =	vst v11  }
0xa5: {  	[tilespmem:s25+$0x20] =	vst v7  }
0xa6: {  	[tilespmem:s25+$0xFFFFFFC0] =	vst v8  }
0xa7: {  	[tilespmem:s25+$0xFFFFFFD0] =	vst v10;
	s25 =	smov.u32 s12  }
0xa8: {  	v8 =	vld [tilespmem:s23+$0xFFFFFFC0]  }
0xa9: {  	v7 =	vld [tilespmem:s24+$0xFFFFFFD0]  }
0xaa: {  	v9 =	vld [tilespmem:s23+$0xFFFFFFD0]  }
0xab: {  	v10 =	vld [tilespmem:s24+$0xFFFFFFC0]  }
0xac: {  	v11 =	vld [tilespmem:s24+$0xFFFFFFE0]  }
0xad: {  	v12 =	vld [tilespmem:s23+$0xFFFFFFE0]  }
0xae: {  	v13 =	vld [tilespmem:s24+$0xFFFFFFF0]  }
0xaf: {  	v7 =	vmul.f32 v9, v7;
	v14 =	vld [tilespmem:s23+$0xFFFFFFF0]  }
0xb0: {  	v10 =	vmul.f32 v8, v10;
	v15 =	vld [tilespmem:s24+$0x0]  }
0xb1: {  	v16 =	vld [tilespmem:s23+$0x0]  }
0xb2: {  	v7 =	vadd.f32 v7, v10;
	v10 =	vmul.f32 v12, v11;
	v11 =	vld [tilespmem:s24+$0x10]  }
0xb3: {  	v17 =	vld [tilespmem:s23+$0x10]  }
0xb4: {  	v7 =	vadd.f32 v10, v7;
	v10 =	vmul.f32 v14, v13;
	v13 =	vld [tilespmem:s23+$0x20]  }
0xb5: {  	v18 =	vld [tilespmem:s24+$0x20]  }
0xb6: {  	v7 =	vadd.f32 v10, v7;
	v10 =	vmul.f32 v16, v15;
	v15 =	vld [tilespmem:s23+$0x30]  }
0xb7: {  	v19 =	vld [tilespmem:s24+$0x30]  }
0xb8: {  	v7 =	vadd.f32 v10, v7;
	v10 =	vmul.f32 v17, v11;
	_ =	sdelay $0x1  }
0xb9: {  	v7 =	vadd.f32 v10, v7;
	v10 =	vmul.f32 v13, v18;
	_ =	sdelay $0x1  }
0xba: {  	v7 =	vadd.f32 v10, v7;
	v10 =	vmul.f32 v15, v19;
	_ =	sdelay $0x1  }
0xbb: {  	v7 =	vadd.f32 v10, v7;
	_ =	sdelay $0x1  }
0xbc: {  	v10 =	vperm.xlane v7, v0;
	_ =	sdelay $0x1  }
0xbd: {  	v7 =	vadd.f32 v7, v10;
	_ =	sdelay $0x1  }
0xbe: {  	v10 =	vperm.xlane v7, v1;
	_ =	sdelay $0x1  }
0xbf: {  	v7 =	vadd.f32 v7, v10;
	_ =	sdelay $0x1  }
0xc0: {  	v10 =	vperm.xlane v7, v2;
	_ =	sdelay $0x1  }
0xc1: {  	v7 =	vadd.f32 v7, v10;
	_ =	sdelay $0x1  }
0xc2: {  	v10 =	vperm.xlane v7, v4;
	_ =	sdelay $0x1  }
0xc3: {  	v7 =	vadd.f32 v7, v10;
	_ =	sdelay $0x1  }
0xc4: {  	v7 =	vmul.f32 v7, v6;
	_ =	sdelay $0x1  }
0xc5: {  	v7 =	vmul.f32 $1.442695020e+00, v7;
	_ =	sdelay $0x1  }
0xc6: {  	(erf) = vpow2.f32 v7;
	_ =	sdelay $0x8  }
0xc7: {  	v7 =	vpop (erf)  }
0xc8: {  	v10 =	vmul.f32 v7, v17;
	v11 =	vmul.f32 v7, v15  }
0xc9: {  	v8 =	vmul.f32 v7, v8;
	v13 =	vmul.f32 v7, v13  }
0xca: {  	v9 =	vmul.f32 v7, v9;
	v12 =	vmul.f32 v7, v12;
	[tilespmem:s23+$0x30] =	vst v11  }
0xcb: {  	v11 =	vmul.f32 v7, v14;
	v14 =	vmul.f32 v7, v16;
	[tilespmem:s23+$0x20] =	vst v13  }
0xcc: {  	[tilespmem:s23+$0xFFFFFFD0] =	vst v9  }
0xcd: {  	[tilespmem:s23+$0x0] =	vst v14  }
0xce: {  	[tilespmem:s23+$0xFFFFFFF0] =	vst v11  }
0xcf: {  	[tilespmem:s23+$0x10] =	vst v10  }
0xd0: {  	[tilespmem:s23+$0xFFFFFFE0] =	vst v12  }
0xd1: {  	s15 =	sand.u32 $0x70, s14;
	[tilespmem:s23+$0xFFFFFFC0] =	vst v8  }
.Ltmp1:
0xd2: {  	v8 =	vld [tilespmem:s15+$0x0];
	(pc) =	sbr.rel @p0 .LBB2_5-.Ltmp1, $2  }
0xd3: {  	_ =	sdelay $0x2  }
0xd4: {  	v9 =	vmov s14  }
0xd5: {  	v6 =	vperm.xlane v8, v9;
	_ =	sdelay $0x1  }
0xd6: {  	v6 =	vshll.u32 v6, $0x4  }
0xd7: {  	v6 =	vand.u32 $0x70, v6  }
0xd8: {  	vm0 =	veq.s32 v6, $0x40  }
0xd9: {  	vm10 =	veq.s32 v6, $0x50;
	vm11 =	veq.s32 v6, $0x70;
	v56 =	vsel vm0, $0x3F800000, v5  }
0xda: {  	vm1 =	veq.s32 v6, $0x30;
	v57 =	vsel vm10, $0x3F800000, v5;
	v8 =	vmul.f32 v56, v7  }
0xdb: {  	vm12 =	veq.s32 v6, $0x20;
	v10 =	vsel vm11, $0x3F800000, v5;
	v9 =	vmul.f32 v57, v7  }
0xdc: {  	vm13 =	veq.s32 v6, $0x60;
	v11 =	vsel vm12, $0x3F800000, v5;
	v10 =	vmul.f32 v10, v7;
	[tilespmem:s25+$0x0] =	vst v8  }
0xdd: {  	vm14 =	veq.s32 v6, $0x0;
	v60 =	vsel vm13, $0x3F800000, v5;
	v59 =	vmul.f32 v11, v7;
	[tilespmem:s25+$0x10] =	vst v9  }
0xde: {  	vm15 =	veq.s32 v6, $0x10;
	v6 =	vsel vm14, $0x3F800000, v5;
	v61 =	vmul.f32 v60, v7;
	[tilespmem:s25+$0x30] =	vst v10  }
0xdf: {  	v58 =	vsel vm1, $0x3F800000, v5;
	v6 =	vmul.f32 v6, v7;
	[tilespmem:s25+$0xFFFFFFE0] =	vst v59  }
0xe0: {  	v62 =	vsel vm15, $0x3F800000, v5;
	v8 =	vmul.f32 v58, v7;
	[tilespmem:s25+$0x20] =	vst v61  }
0xe1: {  	v7 =	vmul.f32 v62, v7;
	[tilespmem:s25+$0xFFFFFFC0] =	vst v6  }
0xe2: {  	[tilespmem:s25+$0xFFFFFFF0] =	vst v8  }
0xe3: {  	[tilespmem:s25+$0xFFFFFFD0] =	vst v7  }
0xe4: {  	v6 =	vld [tilespmem:$0x0]  }
0xe5: {  	v7 =	vld [tilespmem:$0x10]  }
0xe6: {  	v8 =	vld [tilespmem:$0x20]  }
0xe7: {  	v9 =	vld [tilespmem:$0x30]  }
0xe8: {  	v63 =	vld [tilespmem:$0x40]  }
0xe9: {  	v6 =	vshrl.u32 v6, $0x3  }
0xea: {  	[tilespmem:$0x100] =	vst v6;
	v6 =	vshrl.u32 v7, $0x3  }
0xeb: {  	[tilespmem:$0x110] =	vst v6;
	v6 =	vshrl.u32 v8, $0x3  }
0xec: {  	[tilespmem:$0x120] =	vst v6;
	v6 =	vshrl.u32 v9, $0x3  }
0xed: {  	[tilespmem:$0x130] =	vst v6;
	v6 =	vshrl.u32 v63, $0x3  }
0xee: {  	[tilespmem:$0x140] =	vst v6  }
0xef: {  	[spmem:s3] =	stream.indirect.scatter.add.f32 [tilespmem:s2], [sflag:$0x3], $0x80, s5, s30, $0xb8;
	[tilespmem:$0x1E200] =	vst v63  }
0xf0: {  	s22 =	sadd.s32 $0x1, s22;
	_ =	swait.ge [sflag:s31], $0x2800  }
0xf1: {  	p0 =	sne.s32 s22, $0x7D;
	[sflag:s31] =	ssyncset.done $0x0  }
.Ltmp2:
0xf2: {  	[sflag:s31] =	ssyncadd.s32 $0xFFFFD800;
	(pc) =	sbr.rel @p0 .LBB2_4-.Ltmp2, $4  }
0xf3: {  	[spmem:s4] =	stream.indirect.scatter.add.f32 [tilespmem:s19], [sflag:$0x3], $0x80, s18, s30, $0xb8;
	[tilespmem:$0x1E200] =	vst v63  }
0xf4: {  	_ =	swait.ge [sflag:s31], $0x2800  }
0xf5: {  	[sflag:s31] =	ssyncset.done $0x0  }
0xf6: {  	[sflag:s31] =	ssyncadd.s32 $0xFFFFD800  }
0xf7: {  	[bflag:$0x0] =	sbarrier.arrive $0xFFFF  }
0xf8: {  	[tilespmem:s2], [sflag:$0x3] =	stream.linear.gather [spmem:s9], $0x2800, $0x38;
	[tilespmem:$0x1E200] =	vst v63  }
0xf9: {  	_ =	swait.ge [sflag:s31], $0x2800  }
0xfa: {  	[sflag:s31] =	ssyncset.done $0x0  }
0xfb: {  	s23 =	rddreg [dreg:$0x8];
	[sflag:s31] =	ssyncadd.s32 $0xFFFFD800  }
0xfc: {  	[hbm4b:s23+s5] =	stream.linear.scatter [tilespmem:s2], [sflag:$0x3], $0x2800, $0x38;
	[tilespmem:$0x1E200] =	vst v63  }
0xfd: {  	_ =	swait.ge [sflag:s31], $0x2800  }
0xfe: {  	[sflag:s31] =	ssyncset.done $0x0  }
0xff: {  	[sflag:s31] =	ssyncadd.s32 $0xFFFFD800  }
0x100: {  	[tilespmem:s2], [sflag:$0x3] =	stream.linear.gather [spmem:s16], $0x2800, $0x38;
	[tilespmem:$0x1E200] =	vst v63  }
0x101: {  	_ =	swait.ge [sflag:s31], $0x2800  }
0x102: {  	[sflag:s31] =	ssyncset.done $0x0  }
0x103: {  	s25 =	rddreg [dreg:$0x9];
	[sflag:s31] =	ssyncadd.s32 $0xFFFFD800  }
0x104: {  	[hbm4b:s25+s5] =	stream.linear.scatter [tilespmem:s2], [sflag:$0x3], $0x2800, $0x38;
	[tilespmem:$0x1E200] =	vst v63  }
0x105: {  	_ =	swait.ge [sflag:s31], $0x2800  }
0x106: {  	[sflag:s31] =	ssyncset.done $0x0  }
0x107: {  	[sflag:s31] =	ssyncadd.s32 $0xFFFFD800  }
0x108: {  	[tilespmem:s2], [sflag:$0x3] =	stream.linear.gather [spmem:s26], $0x2800, $0x38;
	[tilespmem:$0x1E200] =	vst v63  }
0x109: {  	_ =	swait.ge [sflag:s31], $0x2800  }
0x10a: {  	[sflag:s31] =	ssyncset.done $0x0  }
0x10b: {  	s15 =	smov.u32 s26;
	s26 =	rddreg [dreg:$0xa];
	[sflag:s31] =	ssyncadd.s32 $0xFFFFD800  }
0x10c: {  	[hbm4b:s26+s5] =	stream.linear.scatter [tilespmem:s2], [sflag:$0x3], $0x2800, $0x38;
	[tilespmem:$0x1E200] =	vst v63  }
0x10d: {  	_ =	swait.ge [sflag:s31], $0x2800  }
0x10e: {  	[sflag:s31] =	ssyncset.done $0x0  }
0x10f: {  	[sflag:s31] =	ssyncadd.s32 $0xFFFFD800  }
0x110: {  	[tilespmem:s2], [sflag:$0x3] =	stream.linear.gather [spmem:s28], $0x2800, $0x38;
	[tilespmem:$0x1E200] =	vst v63  }
0x111: {  	_ =	swait.ge [sflag:s31], $0x2800  }
0x112: {  	[sflag:s31] =	ssyncset.done $0x0  }
0x113: {  	s21 =	smov.u32 s28;
	s28 =	rddreg [dreg:$0xb];
	[sflag:s31] =	ssyncadd.s32 $0xFFFFD800  }
0x114: {  	[hbm4b:s28+s5] =	stream.linear.scatter [tilespmem:s2], [sflag:$0x3], $0x2800, $0x38;
	[tilespmem:$0x1E200] =	vst v63  }
0x115: {  	_ =	swait.ge [sflag:s31], $0x2800  }
0x116: {  	[sflag:s31] =	ssyncset.done $0x0  }
0x117: {  	[sflag:s31] =	ssyncadd.s32 $0xFFFFD800  }
0x118: {  	[tilespmem:s2], [sflag:$0x3] =	stream.linear.gather [spmem:s29], $0x2800, $0x38;
	[tilespmem:$0x1E200] =	vst v63  }
0x119: {  	_ =	swait.ge [sflag:s31], $0x2800  }
0x11a: {  	[sflag:s31] =	ssyncset.done $0x0  }
0x11b: {  	s12 =	rddreg [dreg:$0xc];
	[sflag:s31] =	ssyncadd.s32 $0xFFFFD800  }
0x11c: {  	[hbm4b:s12+s5] =	stream.linear.scatter [tilespmem:s2], [sflag:$0x3], $0x2800, $0x38;
	[tilespmem:$0x1E200] =	vst v63  }
0x11d: {  	_ =	swait.ge [sflag:s31], $0x2800  }
0x11e: {  	[sflag:s31] =	ssyncset.done $0x0  }
0x11f: {  	s25 =	rddreg [dreg:$0x11];
	[sflag:s31] =	ssyncadd.s32 $0xFFFFD800  }
0x120: {  	[tilespmem:s2], [sflag:$0x3] =	stream.linear.gather [spmem:s25], $0x2800, $0x38;
	[tilespmem:$0x1E200] =	vst v63  }
0x121: {  	_ =	swait.ge [sflag:s31], $0x2800  }
0x122: {  	[sflag:s31] =	ssyncset.done $0x0  }
0x123: {  	s13 =	rddreg [dreg:$0xe];
	[sflag:s31] =	ssyncadd.s32 $0xFFFFD800  }
0x124: {  	[hbm4b:s13+s5] =	stream.linear.scatter [tilespmem:s2], [sflag:$0x3], $0x2800, $0x38;
	[tilespmem:$0x1E200] =	vst v63  }
0x125: {  	_ =	swait.ge [sflag:s31], $0x2800  }
0x126: {  	[sflag:s31] =	ssyncset.done $0x0  }
0x127: {  	s14 =	smov.u32 s16;
	s16 =	rddreg [dreg:$0x12];
	[sflag:s31] =	ssyncadd.s32 $0xFFFFD800  }
0x128: {  	[tilespmem:s2], [sflag:$0x3] =	stream.linear.gather [spmem:s16], $0x2800, $0x38;
	[tilespmem:$0x1E200] =	vst v63  }
0x129: {  	_ =	swait.ge [sflag:s31], $0x2800  }
0x12a: {  	[sflag:s31] =	ssyncset.done $0x0  }
0x12b: {  	s23 =	rddreg [dreg:$0xf];
	[sflag:s31] =	ssyncadd.s32 $0xFFFFD800  }
0x12c: {  	[hbm4b:s23+s5] =	stream.linear.scatter [tilespmem:s2], [sflag:$0x3], $0x2800, $0x38;
	[tilespmem:$0x1E200] =	vst v63  }
0x12d: {  	_ =	swait.ge [sflag:s31], $0x2800  }
0x12e: {  	[sflag:s31] =	ssyncset.done $0x0  }
0x12f: {  	s26 =	rddreg [dreg:$0x13];
	[sflag:s31] =	ssyncadd.s32 $0xFFFFD800  }
0x130: {  	[tilespmem:s2], [sflag:$0x3] =	stream.linear.gather [spmem:s26], $0x2800, $0x38;
	[tilespmem:$0x1E200] =	vst v63  }
0x131: {  	_ =	swait.ge [sflag:s31], $0x2800  }
0x132: {  	[sflag:s31] =	ssyncset.done $0x0  }
0x133: {  	s28 =	rddreg [dreg:$0x10];
	[sflag:s31] =	ssyncadd.s32 $0xFFFFD800  }
0x134: {  	[hbm4b:s28+s5] =	stream.linear.scatter [tilespmem:s2], [sflag:$0x3], $0x2800, $0x38;
	[tilespmem:$0x1E200] =	vst v63  }
0x135: {  	_ =	swait.ge [sflag:s31], $0x2800  }
0x136: {  	[sflag:s31] =	ssyncset.done $0x0  }
0x137: {  	s23 =	rddreg [dreg:$0x7];
	[sflag:s31] =	ssyncadd.s32 $0xFFFFD800  }
0x138: {  	[tilespmem:s2], [sflag:$0x3] =	stream.linear.gather [spmem:s23], $0x2800, $0x38;
	[tilespmem:$0x1E200] =	vst v63  }
0x139: {  	_ =	swait.ge [sflag:s31], $0x2800  }
0x13a: {  	[sflag:s31] =	ssyncset.done $0x0  }
0x13b: {  	s12 =	rddreg [dreg:$0x6];
	[sflag:s31] =	ssyncadd.s32 $0xFFFFD800  }
0x13c: {  	[hbm4b:s12+s5] =	stream.linear.scatter [tilespmem:s2], [sflag:$0x3], $0x2800, $0x38;
	[tilespmem:$0x1E200] =	vst v63  }
0x13d: {  	_ =	swait.ge [sflag:s31], $0x2800  }
0x13e: {  	s22 =	smov.u32 s29;
	s20 =	sadd.s32 $0x1, s20;
	s29 =	rddreg [dreg:$0xd]  }
0x13f: {  	p0 =	sne.s32 s20, s29  }
.Ltmp3:
0x140: {  	_ = 	snop;
	(pc) =	sbr.rel @p0 .LBB2_1-.Ltmp3, $3  }
0x141: {  	_ =	sdelay $0x1  }
0x142: {  	[sflag:s31] =	ssyncset.done $0x0  }
0x143: {  	s24 =	smov.u32 s9;
	[sflag:s31] =	ssyncadd.s32 $0xFFFFD800  }
0x144: {  	_ =	sfence.sel $0x180000  }
0x145: {  	[bflag:$0x0] =	sbarrier.arrive $0xFFFF  }
0x146: {  	_ =	strace $0x90000047  }
0x147: {  	s0 =	stileid.u32;
	[bflag:$0x2] =	sbarrier.arrive $0xFFFF  }
0x148: {  	p0 =	sne.s32 s0, $0x0;
	s0 =	rddreg [dreg:$0x4]  }
0x149: {  	s0 =	sadd.s32 @!p0 $0x100000, s0  }
0x14a: {  	[sflag:s0] =	ssyncadd.tile.s32 @!p0 $0x1;
	_ =	shalt  }
.Lfunc_end2:
_tile_overlayer_lowered:
.L_overlay_start_2:
0x14b: {  	(tag) =	ssettag $0x2  }
0x14c: {  	s0 =	rddreg [dreg:$0x0];
	s2 =	stileid.u32  }
0x14d: {  	s1 =	rddreg [dreg:$0x1];
	p0 =	sne.s32 s2, $0x0  }
0x14e: {  	s3 =	rddreg [dreg:$0x2];
	[bflag:$0x3] =	sbarrier.arrive $0xFFFF;
	s2 =	simm.s32 @!p0 $0x1C03  }
0x14f: {  	[timem:s3], [sflag:s2] =	dma.local @!p0 [hbm:s0], s1  }
0x150: {  	s0 =	simm.s32 @!p0 $0x3  }
0x151: {  	_ =	swait.ge @!p0 [sflag:s0], s1  }
0x152: {  	s1 =	ssub.s32 @!p0 $0x0, s1;
	[sflag:s0] =	ssyncset.done @!p0 $0x0  }
0x153: {  	[sflag:s0] =	ssyncadd.s32 @!p0 s1  }
0x154: {  	[bflag:$0x3] =	sbarrier.arrive $0xFFFF  }
0x155: {  	_ =	shalt  }

</sc_bundles>
